<compile_context>
chip_gen: v7x
topology: tpu7x:2x2x1
jax: 0.10.2.dev20260603
libtpu: 0.0.44.dev20260713+nightly
codegen_flags: <defaults>
</compile_context>

<pallas_src>
import functools

import jax
import jax.numpy as jnp
from jax import lax
from jax.experimental import pallas as pl
from jax.experimental.pallas import tpu as pltpu
from jax.experimental.pallas import tpu_sc as plsc

D_MODEL = 768
D_LATENT = 12288
TOPK = 20
N_TOKENS = 8192
NGRP = 96
NSEL = 24
NSEL_PAD = 40
BR_ENC = 256
BC_ENC = 2048
GPB = BC_ENC // 128
BR_SEL = 512
BR_DEC = 256
BK_DEC = 2048

NC = 2
NS = 16
NW = NC * NS
RPW = N_TOKENS // NW
CMAX = NSEL * 128 + 32


def _enc_body(x_ref, we_ref, be_ref, lat_ref, m_ref):
    acc = jnp.dot(x_ref[...].astype(jnp.bfloat16),
                  we_ref[...].astype(jnp.bfloat16),
                  preferred_element_type=jnp.float32)
    latf = acc + be_ref[...]
    lat_ref[...] = latf
    cols = [jnp.max(latf[:, g * 128:(g + 1) * 128], axis=1, keepdims=True)
            for g in range(GPB)]
    m_ref[...] = jnp.concatenate(cols, axis=1)[None]


def _sel_body(m_ref, gi_ref, lb_ref):
    i = pl.program_id(0)
    work = m_ref[...]
    iota = lax.broadcasted_iota(jnp.int32, work.shape, 1)
    rowbase = (i * BR_SEL
               + lax.broadcasted_iota(jnp.int32, (BR_SEL, 1), 0)) * NGRP
    m = None
    for j in range(NSEL):
        m = jnp.max(work, axis=1, keepdims=True)
        g = jnp.min(jnp.where(work >= m, iota, 2 ** 30), axis=1,
                    keepdims=True)
        gi_ref[:, j:j + 1] = rowbase + g
        work = jnp.where(iota == g, -jnp.inf, work)
    gi_ref[:, NSEL:NSEL_PAD] = jnp.zeros((BR_SEL, NSEL_PAD - NSEL),
                                         jnp.int32)
    lb_ref[...] = m


def _sc_body(lat_hbm, gidx_hbm, lb_hbm, tau_hbm,
             gidx_v, lb_v, grp0_v, grp1_v, cw_v, tau_v, sem0, sem1):
    wid = lax.axis_index("s") * NC + lax.axis_index("c")
    base = wid * RPW
    pltpu.sync_copy(gidx_hbm.at[pl.ds(base, RPW)], gidx_v)
    pltpu.sync_copy(lb_hbm.at[pl.ds(base, RPW)], lb_v.at[pl.ds(0, RPW)])
    neg16 = jnp.full((16,), -jnp.inf, jnp.float32)

    pltpu.async_copy(lat_hbm.at[gidx_v.at[0, pl.ds(0, NSEL)]], grp0_v,
                     sem0)

    def row_body(r, _):
        @pl.when(jnp.logical_and(r + 1 < RPW, lax.rem(r, 2) == 0))
        def _():
            pltpu.async_copy(
                lat_hbm.at[gidx_v.at[r + 1, pl.ds(0, NSEL)]],
                grp1_v, sem1)

        @pl.when(jnp.logical_and(r + 1 < RPW, lax.rem(r, 2) == 1))
        def _():
            pltpu.async_copy(
                lat_hbm.at[gidx_v.at[r + 1, pl.ds(0, NSEL)]],
                grp0_v, sem0)

        lbv = jnp.full((16,), lb_v[pl.ds(r, 16)][0], jnp.float32)

        def scan_one(grp_v, sem):
            pltpu.make_async_copy(
                lat_hbm.at[gidx_v.at[r, pl.ds(0, NSEL)]], grp_v,
                sem).wait()

            def scan_g(g, cpos):
                for v in range(8):
                    xv = grp_v[g, pl.ds(v * 16, 16)]
                    msk = xv >= lbv
                    cs = plsc.cumsum(msk.astype(jnp.int32))
                    tgt = jnp.where(msk, cpos + cs - 1, CMAX - 16)
                    plsc.store_scatter(cw_v, [tgt], xv, mask=msk)
                    cpos = cpos + cs[15]
                return cpos

            return lax.fori_loop(0, NSEL, scan_g, jnp.int32(0))

        cpos = lax.cond(lax.rem(r, 2) == 0,
                        lambda: scan_one(grp0_v, sem0),
                        lambda: scan_one(grp1_v, sem1))
        cw_v[pl.ds(cpos, 16)] = neg16
        cw_v[pl.ds(cpos + 16, 16)] = neg16
        nv = (cpos + 15) // 16

        def ext3_body(j, _):
            a = cw_v[pl.ds(0, 16)]
            b = cw_v[pl.ds(16, 16)]
            c = cw_v[pl.ds(32, 16)]
            m = jnp.max(jnp.maximum(jnp.maximum(a, b), c))
            msp = jnp.full((16,), m, jnp.float32)
            cw_v[pl.ds(0, 16)] = jnp.where(a >= msp, -jnp.inf, a)
            cw_v[pl.ds(16, 16)] = jnp.where(b >= msp, -jnp.inf, b)
            cw_v[pl.ds(32, 16)] = jnp.where(c >= msp, -jnp.inf, c)
            return m

        def ext_body(j, _):
            def mx(v, acc):
                return jnp.maximum(acc, cw_v[pl.ds(v * 16, 16)])
            run = lax.fori_loop(0, nv, mx, neg16)
            m = jnp.max(run)
            msp = jnp.full((16,), m, jnp.float32)

            def rm(v, c):
                xv = cw_v[pl.ds(v * 16, 16)]
                cw_v[pl.ds(v * 16, 16)] = jnp.where(xv >= msp, -jnp.inf,
                                                    xv)
                return c
            lax.fori_loop(0, nv, rm, jnp.int32(0))
            return m

        tau = lax.cond(
            cpos <= 48,
            lambda: lax.fori_loop(0, TOPK, ext3_body, jnp.float32(0.0)),
            lambda: lax.fori_loop(0, TOPK, ext_body, jnp.float32(0.0)))
        tau_v[r] = jnp.full((16,), tau, jnp.float32)
        return 0

    lax.fori_loop(0, RPW, row_body, jnp.int32(0))
    pltpu.sync_copy(tau_v, tau_hbm.at[pl.ds(base, RPW)])


def _dec_body(lat_ref, tau_ref, wd_ref, bd_ref, out_ref):
    j = pl.program_id(1)

    @pl.when(j == 0)
    def _():
        out_ref[...] = jnp.broadcast_to(bd_ref[...], out_ref.shape)

    lat = lat_ref[...]
    tau = tau_ref[:, 0:1]
    masked = jnp.where(lat >= tau, lat, 0.0)
    out_ref[...] += jnp.dot(masked.astype(jnp.bfloat16),
                            wd_ref[...].astype(jnp.bfloat16),
                            preferred_element_type=jnp.float32)


@jax.jit
def kernel(x, W_enc, b_enc, W_dec, b_dec):
    be2 = b_enc.reshape(1, D_LATENT)
    bd2 = b_dec.reshape(1, D_MODEL)

    latents, M = pl.pallas_call(
        _enc_body,
        grid=(N_TOKENS // BR_ENC, D_LATENT // BC_ENC),
        in_specs=[
            pl.BlockSpec((BR_ENC, D_MODEL), lambda i, j: (i, 0)),
            pl.BlockSpec((D_MODEL, BC_ENC), lambda i, j: (0, j)),
            pl.BlockSpec((1, BC_ENC), lambda i, j: (0, j)),
        ],
        out_specs=[
            pl.BlockSpec((BR_ENC, BC_ENC), lambda i, j: (i, j)),
            pl.BlockSpec((1, BR_ENC, GPB), lambda i, j: (j, i, 0)),
        ],
        out_shape=[
            jax.ShapeDtypeStruct((N_TOKENS, D_LATENT), jnp.float32),
            jax.ShapeDtypeStruct((D_LATENT // BC_ENC, N_TOKENS, GPB),
                                 jnp.float32),
        ],
        compiler_params=pltpu.CompilerParams(
            dimension_semantics=("parallel", "parallel")),
    )(x, W_enc, be2)

    M = jnp.transpose(M, (1, 0, 2)).reshape(N_TOKENS, NGRP)

    gidx, lb = pl.pallas_call(
        _sel_body,
        grid=(N_TOKENS // BR_SEL,),
        in_specs=[pl.BlockSpec((BR_SEL, NGRP), lambda i: (i, 0))],
        out_specs=[
            pl.BlockSpec((BR_SEL, NSEL_PAD), lambda i: (i, 0)),
            pl.BlockSpec((BR_SEL, 1), lambda i: (i, 0)),
        ],
        out_shape=[
            jax.ShapeDtypeStruct((N_TOKENS, NSEL_PAD), jnp.int32),
            jax.ShapeDtypeStruct((N_TOKENS, 1), jnp.float32),
        ],
        compiler_params=pltpu.CompilerParams(
            dimension_semantics=("parallel",)),
    )(M)

    lat_flat = latents.reshape(N_TOKENS * NGRP, 128)
    lb_flat = lb.reshape(N_TOKENS)

    tau = pl.kernel(
        _sc_body,
        mesh=plsc.VectorSubcoreMesh(core_axis_name="c",
                                    subcore_axis_name="s"),
        compiler_params=pltpu.CompilerParams(needs_layout_passes=False),
        out_type=jax.ShapeDtypeStruct((N_TOKENS, 16), jnp.float32),
        scratch_types=[
            pltpu.VMEM((RPW, NSEL_PAD), jnp.int32),
            pltpu.VMEM((RPW + 16,), jnp.float32),
            pltpu.VMEM((NSEL, 128), jnp.float32),
            pltpu.VMEM((NSEL, 128), jnp.float32),
            pltpu.VMEM((CMAX,), jnp.float32),
            pltpu.VMEM((RPW, 16), jnp.float32),
            pltpu.SemaphoreType.DMA,
            pltpu.SemaphoreType.DMA,
        ],
    )(lat_flat, gidx, lb_flat)

    tau2 = tau[:, 0:1]

    recons = pl.pallas_call(
        _dec_body,
        grid=(N_TOKENS // BR_DEC, D_LATENT // BK_DEC),
        in_specs=[
            pl.BlockSpec((BR_DEC, BK_DEC), lambda i, j: (i, j)),
            pl.BlockSpec((BR_DEC, 1), lambda i, j: (i, 0)),
            pl.BlockSpec((BK_DEC, D_MODEL), lambda i, j: (j, 0)),
            pl.BlockSpec((1, D_MODEL), lambda i, j: (0, 0)),
        ],
        out_specs=pl.BlockSpec((BR_DEC, D_MODEL), lambda i, j: (i, 0)),
        out_shape=jax.ShapeDtypeStruct((N_TOKENS, D_MODEL), jnp.float32),
        compiler_params=pltpu.CompilerParams(
            dimension_semantics=("parallel", "arbitrary")),
    )(latents, tau2, W_dec, bd2)

    return recons

# --- scband reference (transcript-rebuilt; emitter-appended) ---
"""Pipeline reference for scband-sae-81449759801981 (READ-ONLY COPY).

The authoritative reference and input builder live on the scoring server;
editing this copy changes nothing except your own understanding.
"""

import jax, jax.numpy as jnp
import numpy as np

D_MODEL = 768
D_LATENT = 12288
K = 20
N_TOKENS = 8192


def setup_inputs(seed: int = 0) -> dict:
    key = jax.random.key(seed)
    k_x, k_we, k_be, k_wd, k_bd = jax.random.split(key, 5)
    x = jax.random.normal(k_x, (N_TOKENS, D_MODEL), dtype=jnp.float32)
    # nn.Linear(768, 12288): weight [12288, 768], bias [12288]; we store transposed for x @ W
    W_enc = jax.random.normal(k_we, (D_MODEL, D_LATENT), dtype=jnp.float32) * (1.0 / np.sqrt(D_MODEL))
    b_enc = jax.random.normal(k_be, (D_LATENT,), dtype=jnp.float32) * 0.01
    W_dec = jax.random.normal(k_wd, (D_LATENT, D_MODEL), dtype=jnp.float32) * (1.0 / np.sqrt(D_LATENT))
    b_dec = jax.random.normal(k_bd, (D_MODEL,), dtype=jnp.float32) * 0.01
    return {"x": x, "W_enc": W_enc, "b_enc": b_enc, "W_dec": W_dec, "b_dec": b_dec}


def apply_sparsity(latents):
    # values, indices = torch.topk(latents, k=20, dim=-1)
    _, idx = jax.lax.top_k(latents, K)
    # mask = zeros_like(latents).scatter_(-1, indices, 1.0)
    rows = jnp.arange(latents.shape[0])[:, None]
    mask = jnp.zeros_like(latents).at[rows, idx].set(1.0)
    return latents * mask


def reference(x, W_enc, b_enc, W_dec, b_dec):
    latents = x @ W_enc + b_enc
    latents_sparse = apply_sparsity(latents)
    recons = latents_sparse @ W_dec + b_dec
    return recons

if __name__ == "__main__":
    import jax
    _d = setup_inputs()
    print(jax.jit(kernel)(*tuple(_d.values())))

</pallas_src>

<mosaic_0001>
#map = affine_map<(d0, d1) -> (0, 0)>
#map1 = affine_map<(d0, d1) -> (0)>
module attributes {stable_mosaic.version = 14 : i64} {
  func.func @_sc_body(%arg0: i32, %arg1: i32, %arg2: memref<786432x128xf32, #tpu.memory_space<hbm>>, %arg3: memref<8192x40xi32, #tpu.memory_space<hbm>>, %arg4: memref<8192xf32, #tpu.memory_space<hbm>>, %arg5: memref<8192x16xf32, #tpu.memory_space<hbm>>, %arg6: memref<256x40xi32, #tpu.memory_space<vmem>>, %arg7: memref<272xf32, #tpu.memory_space<vmem>>, %arg8: memref<24x128xf32, #tpu.memory_space<vmem>>, %arg9: memref<24x128xf32, #tpu.memory_space<vmem>>, %arg10: memref<3104xf32, #tpu.memory_space<vmem>>, %arg11: memref<256x16xf32, #tpu.memory_space<vmem>>, %arg12: memref<!tpu.dma_semaphore, #tpu.memory_space<semaphore_mem>>, %arg13: memref<!tpu.dma_semaphore, #tpu.memory_space<semaphore_mem>>) attributes {dimension_semantics = [#tpu.dimension_semantics<core_parallel>, #tpu.dimension_semantics<subcore_parallel>], iteration_bounds = array<i64: 2, 16>, scalar_prefetch = 0 : i64, scratch_operands = 8 : i64, tpu.core_type = #tpu.core_type<sc_vector_subcore>, window_params = [{transform_indices = #map}, {transform_indices = #map}, {transform_indices = #map1}, {transform_indices = #map}]} {
    %mul3A = arith.constant 2 : i32
    %mul3A_0 = arith.muli %arg1, %mul3A : i32
    %add3A = arith.addi %mul3A_0, %arg0 : i32
    %mul3A_1 = arith.constant 256 : i32
    %mul3A_2 = arith.muli %add3A, %mul3A_1 : i32
    "tpu.region"() ({
      %run_scoped3A = tpu.sem_alloc : memref<!tpu.dma_semaphore, #tpu.memory_space<semaphore_mem>>
      %dma_start3A_16 = arith.constant 0 : i32
      %dma_start3A_17 = tpu.memref_slice %arg3[%mul3A_2, %dma_start3A_16] : memref<8192x40xi32, #tpu.memory_space<hbm>> -> memref<256x40xi32, #tpu.memory_space<hbm>>
      %dma_start3A_18 = arith.constant 0 : i32
      %dma_start3A_19 = tpu.memref_slice %arg3[%mul3A_2, %dma_start3A_18] : memref<8192x40xi32, #tpu.memory_space<hbm>> -> memref<256x40xi32, #tpu.memory_space<hbm>>
      tpu.enqueue_dma source(%dma_start3A_19 : memref<256x40xi32, #tpu.memory_space<hbm>>) target(%arg6 : memref<256x40xi32, #tpu.memory_space<vmem>>) target_semaphore(%run_scoped3A : memref<!tpu.dma_semaphore, #tpu.memory_space<semaphore_mem>>)
      %dma_wait3A = arith.constant 0 : i32
      %dma_wait3A_20 = tpu.memref_slice %arg3[%mul3A_2, %dma_wait3A] : memref<8192x40xi32, #tpu.memory_space<hbm>> -> memref<256x40xi32, #tpu.memory_space<hbm>>
      %dma_wait3A_21 = arith.constant 0 : i32
      %dma_wait3A_22 = tpu.memref_slice %arg3[%mul3A_2, %dma_wait3A_21] : memref<8192x40xi32, #tpu.memory_space<hbm>> -> memref<256x40xi32, #tpu.memory_space<hbm>>
      tpu.wait_dma2 semaphore(%run_scoped3A : memref<!tpu.dma_semaphore, #tpu.memory_space<semaphore_mem>>) src(%dma_wait3A_22 : memref<256x40xi32, #tpu.memory_space<hbm>>) dst(%arg6 : memref<256x40xi32, #tpu.memory_space<vmem>>)
      tpu.yield
    }) : () -> ()
    "tpu.region"() ({
      %run_scoped3A = tpu.sem_alloc : memref<!tpu.dma_semaphore, #tpu.memory_space<semaphore_mem>>
      %dma_start3A_16 = arith.constant 0 : i32
      %dma_start3A_17 = tpu.memref_slice %arg7[%dma_start3A_16] : memref<272xf32, #tpu.memory_space<vmem>> -> memref<256xf32, #tpu.memory_space<vmem>>
      %dma_start3A_18 = tpu.memref_slice %arg4[%mul3A_2] : memref<8192xf32, #tpu.memory_space<hbm>> -> memref<256xf32, #tpu.memory_space<hbm>>
      %dma_start3A_19 = arith.constant 0 : i32
      %dma_start3A_20 = tpu.memref_slice %arg7[%dma_start3A_19] : memref<272xf32, #tpu.memory_space<vmem>> -> memref<256xf32, #tpu.memory_space<vmem>>
      %dma_start3A_21 = tpu.memref_slice %arg4[%mul3A_2] : memref<8192xf32, #tpu.memory_space<hbm>> -> memref<256xf32, #tpu.memory_space<hbm>>
      tpu.enqueue_dma source(%dma_start3A_21 : memref<256xf32, #tpu.memory_space<hbm>>) target(%dma_start3A_20 : memref<256xf32, #tpu.memory_space<vmem>>) target_semaphore(%run_scoped3A : memref<!tpu.dma_semaphore, #tpu.memory_space<semaphore_mem>>)
      %dma_wait3A = arith.constant 0 : i32
      %dma_wait3A_22 = tpu.memref_slice %arg7[%dma_wait3A] : memref<272xf32, #tpu.memory_space<vmem>> -> memref<256xf32, #tpu.memory_space<vmem>>
      %dma_wait3A_23 = tpu.memref_slice %arg4[%mul3A_2] : memref<8192xf32, #tpu.memory_space<hbm>> -> memref<256xf32, #tpu.memory_space<hbm>>
      %dma_wait3A_24 = arith.constant 0 : i32
      %dma_wait3A_25 = tpu.memref_slice %arg7[%dma_wait3A_24] : memref<272xf32, #tpu.memory_space<vmem>> -> memref<256xf32, #tpu.memory_space<vmem>>
      %dma_wait3A_26 = tpu.memref_slice %arg4[%mul3A_2] : memref<8192xf32, #tpu.memory_space<hbm>> -> memref<256xf32, #tpu.memory_space<hbm>>
      tpu.wait_dma2 semaphore(%run_scoped3A : memref<!tpu.dma_semaphore, #tpu.memory_space<semaphore_mem>>) src(%dma_wait3A_26 : memref<256xf32, #tpu.memory_space<hbm>>) dst(%dma_wait3A_25 : memref<256xf32, #tpu.memory_space<vmem>>)
      tpu.yield
    }) : () -> ()
    %broadcast_in_dim3A = arith.constant 0xFF800000 : f32
    %broadcast_in_dim3A_3 = vector.broadcast %broadcast_in_dim3A : f32 to vector<16xf32>
    %dma_start3A = arith.constant 0 : i32
    %dma_start3A_4 = arith.constant 0 : i32
    %dma_start3A_5 = tpu.memref_slice %arg6[%dma_start3A, %dma_start3A_4] : memref<256x40xi32, #tpu.memory_space<vmem>> -> memref<1x24xi32, #tpu.memory_space<vmem>>
    %dma_start3A_6 = tpu.memref_squeeze %dma_start3A_5 : memref<1x24xi32, #tpu.memory_space<vmem>> -> memref<24xi32, #tpu.memory_space<vmem>>
    %dma_start3A_7 = arith.constant 0 : i32
    %dma_start3A_8 = arith.constant 0 : i32
    %dma_start3A_9 = tpu.memref_slice %arg2[%dma_start3A_7, %dma_start3A_8] : memref<786432x128xf32, #tpu.memory_space<hbm>> -> memref<786432x128xf32, #tpu.memory_space<hbm>>
    tpu.enqueue_indirect_dma source(%dma_start3A_9 : memref<786432x128xf32, #tpu.memory_space<hbm>>) target(%arg8 : memref<24x128xf32, #tpu.memory_space<vmem>>) offsets(%dma_start3A_6 : memref<24xi32, #tpu.memory_space<vmem>>) semaphore(%arg12 : memref<!tpu.dma_semaphore, #tpu.memory_space<semaphore_mem>>)
    %scan3A = arith.constant 0 : i32
    %scan3A_10 = arith.constant 0 : i32
    %scan3A_11 = arith.constant 256 : i32
    %scan3A_12 = arith.addi %scan3A_10, %scan3A_11 : i32
    %scan3A_13 = arith.constant 1 : i32
    %scan3A_14 = scf.for %scan3A_16 = %scan3A_10 to %scan3A_12 step %scan3A_13 iter_args(%scan3A_17 = %scan3A) -> (i32)  : i32 {
      %add3A_18 = arith.constant 1 : i32
      %add3A_19 = arith.addi %scan3A_16, %add3A_18 : i32
      %lt3A = arith.constant 256 : i32
      %lt3A_20 = arith.cmpi slt, %add3A_19, %lt3A : i32
      %rem3A = arith.constant 2 : i32
      %rem3A_21 = arith.remsi %scan3A_16, %rem3A : i32
      %eq3A = arith.constant 0 : i32
      %eq3A_22 = arith.cmpi eq, %rem3A_21, %eq3A : i32
      %and3A = arith.andi %lt3A_20, %eq3A_22 : i1
      %convert_element_type3A = arith.extui %and3A : i1 to i32
      %cond3A = arith.constant 0 : i32
      %cond3A_23 = arith.cmpi ne, %convert_element_type3A, %cond3A : i32
      scf.if %cond3A_23 {
        %add3A_81 = arith.constant 1 : i32
        %add3A_82 = arith.addi %scan3A_16, %add3A_81 : i32
        %dma_start3A_83 = arith.constant 0 : i32
        %dma_start3A_84 = tpu.memref_slice %arg6[%add3A_82, %dma_start3A_83] : memref<256x40xi32, #tpu.memory_space<vmem>> -> memref<1x24xi32, #tpu.memory_space<vmem>>
        %dma_start3A_85 = tpu.memref_squeeze %dma_start3A_84 : memref<1x24xi32, #tpu.memory_space<vmem>> -> memref<24xi32, #tpu.memory_space<vmem>>
        %dma_start3A_86 = arith.constant 0 : i32
        %dma_start3A_87 = arith.constant 0 : i32
        %dma_start3A_88 = tpu.memref_slice %arg2[%dma_start3A_86, %dma_start3A_87] : memref<786432x128xf32, #tpu.memory_space<hbm>> -> memref<786432x128xf32, #tpu.memory_space<hbm>>
        tpu.enqueue_indirect_dma source(%dma_start3A_88 : memref<786432x128xf32, #tpu.memory_space<hbm>>) target(%arg9 : memref<24x128xf32, #tpu.memory_space<vmem>>) offsets(%dma_start3A_85 : memref<24xi32, #tpu.memory_space<vmem>>) semaphore(%arg13 : memref<!tpu.dma_semaphore, #tpu.memory_space<semaphore_mem>>)
      } else {
      }
      %add3A_24 = arith.constant 1 : i32
      %add3A_25 = arith.addi %scan3A_16, %add3A_24 : i32
      %lt3A_26 = arith.constant 256 : i32
      %lt3A_27 = arith.cmpi slt, %add3A_25, %lt3A_26 : i32
      %rem3A_28 = arith.constant 2 : i32
      %rem3A_29 = arith.remsi %scan3A_16, %rem3A_28 : i32
      %eq3A_30 = arith.constant 1 : i32
      %eq3A_31 = arith.cmpi eq, %rem3A_29, %eq3A_30 : i32
      %and3A_32 = arith.andi %lt3A_27, %eq3A_31 : i1
      %convert_element_type3A_33 = arith.extui %and3A_32 : i1 to i32
      %cond3A_34 = arith.constant 0 : i32
      %cond3A_35 = arith.cmpi ne, %convert_element_type3A_33, %cond3A_34 : i32
      scf.if %cond3A_35 {
        %add3A_81 = arith.constant 1 : i32
        %add3A_82 = arith.addi %scan3A_16, %add3A_81 : i32
        %dma_start3A_83 = arith.constant 0 : i32
        %dma_start3A_84 = tpu.memref_slice %arg6[%add3A_82, %dma_start3A_83] : memref<256x40xi32, #tpu.memory_space<vmem>> -> memref<1x24xi32, #tpu.memory_space<vmem>>
        %dma_start3A_85 = tpu.memref_squeeze %dma_start3A_84 : memref<1x24xi32, #tpu.memory_space<vmem>> -> memref<24xi32, #tpu.memory_space<vmem>>
        %dma_start3A_86 = arith.constant 0 : i32
        %dma_start3A_87 = arith.constant 0 : i32
        %dma_start3A_88 = tpu.memref_slice %arg2[%dma_start3A_86, %dma_start3A_87] : memref<786432x128xf32, #tpu.memory_space<hbm>> -> memref<786432x128xf32, #tpu.memory_space<hbm>>
        tpu.enqueue_indirect_dma source(%dma_start3A_88 : memref<786432x128xf32, #tpu.memory_space<hbm>>) target(%arg8 : memref<24x128xf32, #tpu.memory_space<vmem>>) offsets(%dma_start3A_85 : memref<24xi32, #tpu.memory_space<vmem>>) semaphore(%arg12 : memref<!tpu.dma_semaphore, #tpu.memory_space<semaphore_mem>>)
      } else {
      }
      %get3A = arith.index_cast %scan3A_16 : i32 to index
      %get3A_36 = tpu.vector_load %arg7[%get3A] {strides = array<i32>} : memref<272xf32, #tpu.memory_space<vmem>>, vector<16xf32>,
      %slice3A = vector.extract_strided_slice %get3A_36 {offsets = [0], sizes = [1], strides = [1]} : vector<16xf32> to vector<1xf32>
      %squeeze3A = vector.extract %slice3A[0] : f32 from vector<1xf32>
      %broadcast_in_dim3A_37 = vector.broadcast %squeeze3A : f32 to vector<16xf32>
      %rem3A_38 = arith.constant 2 : i32
      %rem3A_39 = arith.remsi %scan3A_16, %rem3A_38 : i32
      %eq3A_40 = arith.constant 0 : i32
      %eq3A_41 = arith.cmpi eq, %rem3A_39, %eq3A_40 : i32
      %convert_element_type3A_42 = arith.extui %eq3A_41 : i1 to i32
      %cond3A_43 = arith.constant 0 : i32
      %cond3A_44 = arith.cmpi ne, %convert_element_type3A_42, %cond3A_43 : i32
      %cond3A_45 = scf.if %cond3A_44 -> (i32) {
        %dma_wait3A = arith.constant 0 : i32
        %dma_wait3A_81 = tpu.memref_slice %arg6[%scan3A_16, %dma_wait3A] : memref<256x40xi32, #tpu.memory_space<vmem>> -> memref<1x24xi32, #tpu.memory_space<vmem>>
        %dma_wait3A_82 = tpu.memref_squeeze %dma_wait3A_81 : memref<1x24xi32, #tpu.memory_space<vmem>> -> memref<24xi32, #tpu.memory_space<vmem>>
        %dma_wait3A_83 = arith.constant 0 : i32
        %dma_wait3A_84 = arith.constant 0 : i32
        %dma_wait3A_85 = tpu.memref_slice %arg2[%dma_wait3A_83, %dma_wait3A_84] : memref<786432x128xf32, #tpu.memory_space<hbm>> -> memref<786432x128xf32, #tpu.memory_space<hbm>>
        tpu.wait_indirect_dma semaphore(%arg12 : memref<!tpu.dma_semaphore, #tpu.memory_space<semaphore_mem>>) src(%dma_wait3A_85 : memref<786432x128xf32, #tpu.memory_space<hbm>>) dst(%arg8 : memref<24x128xf32, #tpu.memory_space<vmem>>)
        %scan3A_86 = arith.constant 0 : i32
        %scan3A_87 = arith.constant 0 : i32
        %scan3A_88 = arith.constant 24 : i32
        %scan3A_89 = arith.addi %scan3A_87, %scan3A_88 : i32
        %scan3A_90 = arith.constant 1 : i32
        %scan3A_91 = scf.for %scan3A_93 = %scan3A_87 to %scan3A_89 step %scan3A_90 iter_args(%scan3A_94 = %scan3A_86) -> (i32)  : i32 {
          %get3A_95 = arith.index_cast %scan3A_93 : i32 to index
          %get3A_96 = arith.constant 0 : index
          %get3A_97 = tpu.vector_load %arg8[%get3A_95, %get3A_96] {strides = array<i32>} : memref<24x128xf32, #tpu.memory_space<vmem>>, vector<16xf32>,
          %ge3A = arith.cmpf oge, %get3A_97, %broadcast_in_dim3A_37 : vector<16xf32>
          %convert_element_type3A_98 = arith.extui %ge3A : vector<16xi1> to vector<16xi32>
          %broadcast_in_dim3A_99 = arith.constant true
          %broadcast_in_dim3A_100 = vector.broadcast %broadcast_in_dim3A_99 : i1 to vector<16xi1>
          %masked_cumsum3A = tpu.scan <sum>, %convert_element_type3A_98 masked %broadcast_in_dim3A_100 : vector<16xi32>, vector<16xi1> -> vector<16xi32>
          %add3A_101 = vector.broadcast %scan3A_94 : i32 to vector<16xi32>
          %add3A_102 = arith.addi %add3A_101, %masked_cumsum3A : vector<16xi32>
          %sub3A_103 = arith.constant 1 : i32
          %sub3A_104 = vector.broadcast %sub3A_103 : i32 to vector<16xi32>
          %sub3A_105 = arith.subi %add3A_102, %sub3A_104 : vector<16xi32>
          %jit3A_106 = arith.constant 3088 : i32
          %broadcast_in_dim3A_107 = vector.broadcast %jit3A_106 : i32 to vector<16xi32>
          %select_n3A_108 = arith.select %ge3A, %sub3A_105, %broadcast_in_dim3A_107 : vector<16xi1>, vector<16xi32>
          tpu.vector_store_idx %arg10[%select_n3A_108], %get3A_97 masked %ge3A : memref<3104xf32, #tpu.memory_space<vmem>>[vector<16xi32>], vector<16xf32>, vector<16xi1>
          %slice3A_109 = vector.extract_strided_slice %masked_cumsum3A {offsets = [15], sizes = [1], strides = [1]} : vector<16xi32> to vector<1xi32>
          %squeeze3A_110 = vector.extract %slice3A_109[0] : i32 from vector<1xi32>
          %add3A_111 = arith.addi %scan3A_94, %squeeze3A_110 : i32
          %get3A_112 = arith.index_cast %scan3A_93 : i32 to index
          %get3A_113 = arith.constant 16 : index
          %get3A_114 = tpu.vector_load %arg8[%get3A_112, %get3A_113] {strides = array<i32>} : memref<24x128xf32, #tpu.memory_space<vmem>>, vector<16xf32>,
          %ge3A_115 = arith.cmpf oge, %get3A_114, %broadcast_in_dim3A_37 : vector<16xf32>
          %convert_element_type3A_116 = arith.extui %ge3A_115 : vector<16xi1> to vector<16xi32>
          %broadcast_in_dim3A_117 = arith.constant true
          %broadcast_in_dim3A_118 = vector.broadcast %broadcast_in_dim3A_117 : i1 to vector<16xi1>
          %masked_cumsum3A_119 = tpu.scan <sum>, %convert_element_type3A_116 masked %broadcast_in_dim3A_118 : vector<16xi32>, vector<16xi1> -> vector<16xi32>
          %add3A_120 = vector.broadcast %add3A_111 : i32 to vector<16xi32>
          %add3A_121 = arith.addi %add3A_120, %masked_cumsum3A_119 : vector<16xi32>
          %sub3A_122 = arith.constant 1 : i32
          %sub3A_123 = vector.broadcast %sub3A_122 : i32 to vector<16xi32>
          %sub3A_124 = arith.subi %add3A_121, %sub3A_123 : vector<16xi32>
          %jit3A_125 = arith.constant 3088 : i32
          %broadcast_in_dim3A_126 = vector.broadcast %jit3A_125 : i32 to vector<16xi32>
          %select_n3A_127 = arith.select %ge3A_115, %sub3A_124, %broadcast_in_dim3A_126 : vector<16xi1>, vector<16xi32>
          tpu.vector_store_idx %arg10[%select_n3A_127], %get3A_114 masked %ge3A_115 : memref<3104xf32, #tpu.memory_space<vmem>>[vector<16xi32>], vector<16xf32>, vector<16xi1>
          %slice3A_128 = vector.extract_strided_slice %masked_cumsum3A_119 {offsets = [15], sizes = [1], strides = [1]} : vector<16xi32> to vector<1xi32>
          %squeeze3A_129 = vector.extract %slice3A_128[0] : i32 from vector<1xi32>
          %add3A_130 = arith.addi %add3A_111, %squeeze3A_129 : i32
          %get3A_131 = arith.index_cast %scan3A_93 : i32 to index
          %get3A_132 = arith.constant 32 : index
          %get3A_133 = tpu.vector_load %arg8[%get3A_131, %get3A_132] {strides = array<i32>} : memref<24x128xf32, #tpu.memory_space<vmem>>, vector<16xf32>,
          %ge3A_134 = arith.cmpf oge, %get3A_133, %broadcast_in_dim3A_37 : vector<16xf32>
          %convert_element_type3A_135 = arith.extui %ge3A_134 : vector<16xi1> to vector<16xi32>
          %broadcast_in_dim3A_136 = arith.constant true
          %broadcast_in_dim3A_137 = vector.broadcast %broadcast_in_dim3A_136 : i1 to vector<16xi1>
          %masked_cumsum3A_138 = tpu.scan <sum>, %convert_element_type3A_135 masked %broadcast_in_dim3A_137 : vector<16xi32>, vector<16xi1> -> vector<16xi32>
          %add3A_139 = vector.broadcast %add3A_130 : i32 to vector<16xi32>
          %add3A_140 = arith.addi %add3A_139, %masked_cumsum3A_138 : vector<16xi32>
          %sub3A_141 = arith.constant 1 : i32
          %sub3A_142 = vector.broadcast %sub3A_141 : i32 to vector<16xi32>
          %sub3A_143 = arith.subi %add3A_140, %sub3A_142 : vector<16xi32>
          %jit3A_144 = arith.constant 3088 : i32
          %broadcast_in_dim3A_145 = vector.broadcast %jit3A_144 : i32 to vector<16xi32>
          %select_n3A_146 = arith.select %ge3A_134, %sub3A_143, %broadcast_in_dim3A_145 : vector<16xi1>, vector<16xi32>
          tpu.vector_store_idx %arg10[%select_n3A_146], %get3A_133 masked %ge3A_134 : memref<3104xf32, #tpu.memory_space<vmem>>[vector<16xi32>], vector<16xf32>, vector<16xi1>
          %slice3A_147 = vector.extract_strided_slice %masked_cumsum3A_138 {offsets = [15], sizes = [1], strides = [1]} : vector<16xi32> to vector<1xi32>
          %squeeze3A_148 = vector.extract %slice3A_147[0] : i32 from vector<1xi32>
          %add3A_149 = arith.addi %add3A_130, %squeeze3A_148 : i32
          %get3A_150 = arith.index_cast %scan3A_93 : i32 to index
          %get3A_151 = arith.constant 48 : index
          %get3A_152 = tpu.vector_load %arg8[%get3A_150, %get3A_151] {strides = array<i32>} : memref<24x128xf32, #tpu.memory_space<vmem>>, vector<16xf32>,
          %ge3A_153 = arith.cmpf oge, %get3A_152, %broadcast_in_dim3A_37 : vector<16xf32>
          %convert_element_type3A_154 = arith.extui %ge3A_153 : vector<16xi1> to vector<16xi32>
          %broadcast_in_dim3A_155 = arith.constant true
          %broadcast_in_dim3A_156 = vector.broadcast %broadcast_in_dim3A_155 : i1 to vector<16xi1>
          %masked_cumsum3A_157 = tpu.scan <sum>, %convert_element_type3A_154 masked %broadcast_in_dim3A_156 : vector<16xi32>, vector<16xi1> -> vector<16xi32>
          %add3A_158 = vector.broadcast %add3A_149 : i32 to vector<16xi32>
          %add3A_159 = arith.addi %add3A_158, %masked_cumsum3A_157 : vector<16xi32>
          %sub3A_160 = arith.constant 1 : i32
          %sub3A_161 = vector.broadcast %sub3A_160 : i32 to vector<16xi32>
          %sub3A_162 = arith.subi %add3A_159, %sub3A_161 : vector<16xi32>
          %jit3A_163 = arith.constant 3088 : i32
          %broadcast_in_dim3A_164 = vector.broadcast %jit3A_163 : i32 to vector<16xi32>
          %select_n3A_165 = arith.select %ge3A_153, %sub3A_162, %broadcast_in_dim3A_164 : vector<16xi1>, vector<16xi32>
          tpu.vector_store_idx %arg10[%select_n3A_165], %get3A_152 masked %ge3A_153 : memref<3104xf32, #tpu.memory_space<vmem>>[vector<16xi32>], vector<16xf32>, vector<16xi1>
          %slice3A_166 = vector.extract_strided_slice %masked_cumsum3A_157 {offsets = [15], sizes = [1], strides = [1]} : vector<16xi32> to vector<1xi32>
          %squeeze3A_167 = vector.extract %slice3A_166[0] : i32 from vector<1xi32>
          %add3A_168 = arith.addi %add3A_149, %squeeze3A_167 : i32
          %get3A_169 = arith.index_cast %scan3A_93 : i32 to index
          %get3A_170 = arith.constant 64 : index
          %get3A_171 = tpu.vector_load %arg8[%get3A_169, %get3A_170] {strides = array<i32>} : memref<24x128xf32, #tpu.memory_space<vmem>>, vector<16xf32>,
          %ge3A_172 = arith.cmpf oge, %get3A_171, %broadcast_in_dim3A_37 : vector<16xf32>
          %convert_element_type3A_173 = arith.extui %ge3A_172 : vector<16xi1> to vector<16xi32>
          %broadcast_in_dim3A_174 = arith.constant true
          %broadcast_in_dim3A_175 = vector.broadcast %broadcast_in_dim3A_174 : i1 to vector<16xi1>
          %masked_cumsum3A_176 = tpu.scan <sum>, %convert_element_type3A_173 masked %broadcast_in_dim3A_175 : vector<16xi32>, vector<16xi1> -> vector<16xi32>
          %add3A_177 = vector.broadcast %add3A_168 : i32 to vector<16xi32>
          %add3A_178 = arith.addi %add3A_177, %masked_cumsum3A_176 : vector<16xi32>
          %sub3A_179 = arith.constant 1 : i32
          %sub3A_180 = vector.broadcast %sub3A_179 : i32 to vector<16xi32>
          %sub3A_181 = arith.subi %add3A_178, %sub3A_180 : vector<16xi32>
          %jit3A_182 = arith.constant 3088 : i32
          %broadcast_in_dim3A_183 = vector.broadcast %jit3A_182 : i32 to vector<16xi32>
          %select_n3A_184 = arith.select %ge3A_172, %sub3A_181, %broadcast_in_dim3A_183 : vector<16xi1>, vector<16xi32>
          tpu.vector_store_idx %arg10[%select_n3A_184], %get3A_171 masked %ge3A_172 : memref<3104xf32, #tpu.memory_space<vmem>>[vector<16xi32>], vector<16xf32>, vector<16xi1>
          %slice3A_185 = vector.extract_strided_slice %masked_cumsum3A_176 {offsets = [15], sizes = [1], strides = [1]} : vector<16xi32> to vector<1xi32>
          %squeeze3A_186 = vector.extract %slice3A_185[0] : i32 from vector<1xi32>
          %add3A_187 = arith.addi %add3A_168, %squeeze3A_186 : i32
          %get3A_188 = arith.index_cast %scan3A_93 : i32 to index
          %get3A_189 = arith.constant 80 : index
          %get3A_190 = tpu.vector_load %arg8[%get3A_188, %get3A_189] {strides = array<i32>} : memref<24x128xf32, #tpu.memory_space<vmem>>, vector<16xf32>,
          %ge3A_191 = arith.cmpf oge, %get3A_190, %broadcast_in_dim3A_37 : vector<16xf32>
          %convert_element_type3A_192 = arith.extui %ge3A_191 : vector<16xi1> to vector<16xi32>
          %broadcast_in_dim3A_193 = arith.constant true
          %broadcast_in_dim3A_194 = vector.broadcast %broadcast_in_dim3A_193 : i1 to vector<16xi1>
          %masked_cumsum3A_195 = tpu.scan <sum>, %convert_element_type3A_192 masked %broadcast_in_dim3A_194 : vector<16xi32>, vector<16xi1> -> vector<16xi32>
          %add3A_196 = vector.broadcast %add3A_187 : i32 to vector<16xi32>
          %add3A_197 = arith.addi %add3A_196, %masked_cumsum3A_195 : vector<16xi32>
          %sub3A_198 = arith.constant 1 : i32
          %sub3A_199 = vector.broadcast %sub3A_198 : i32 to vector<16xi32>
          %sub3A_200 = arith.subi %add3A_197, %sub3A_199 : vector<16xi32>
          %jit3A_201 = arith.constant 3088 : i32
          %broadcast_in_dim3A_202 = vector.broadcast %jit3A_201 : i32 to vector<16xi32>
          %select_n3A_203 = arith.select %ge3A_191, %sub3A_200, %broadcast_in_dim3A_202 : vector<16xi1>, vector<16xi32>
          tpu.vector_store_idx %arg10[%select_n3A_203], %get3A_190 masked %ge3A_191 : memref<3104xf32, #tpu.memory_space<vmem>>[vector<16xi32>], vector<16xf32>, vector<16xi1>
          %slice3A_204 = vector.extract_strided_slice %masked_cumsum3A_195 {offsets = [15], sizes = [1], strides = [1]} : vector<16xi32> to vector<1xi32>
          %squeeze3A_205 = vector.extract %slice3A_204[0] : i32 from vector<1xi32>
          %add3A_206 = arith.addi %add3A_187, %squeeze3A_205 : i32
          %get3A_207 = arith.index_cast %scan3A_93 : i32 to index
          %get3A_208 = arith.constant 96 : index
          %get3A_209 = tpu.vector_load %arg8[%get3A_207, %get3A_208] {strides = array<i32>} : memref<24x128xf32, #tpu.memory_space<vmem>>, vector<16xf32>,
          %ge3A_210 = arith.cmpf oge, %get3A_209, %broadcast_in_dim3A_37 : vector<16xf32>
          %convert_element_type3A_211 = arith.extui %ge3A_210 : vector<16xi1> to vector<16xi32>
          %broadcast_in_dim3A_212 = arith.constant true
          %broadcast_in_dim3A_213 = vector.broadcast %broadcast_in_dim3A_212 : i1 to vector<16xi1>
          %masked_cumsum3A_214 = tpu.scan <sum>, %convert_element_type3A_211 masked %broadcast_in_dim3A_213 : vector<16xi32>, vector<16xi1> -> vector<16xi32>
          %add3A_215 = vector.broadcast %add3A_206 : i32 to vector<16xi32>
          %add3A_216 = arith.addi %add3A_215, %masked_cumsum3A_214 : vector<16xi32>
          %sub3A_217 = arith.constant 1 : i32
          %sub3A_218 = vector.broadcast %sub3A_217 : i32 to vector<16xi32>
          %sub3A_219 = arith.subi %add3A_216, %sub3A_218 : vector<16xi32>
          %jit3A_220 = arith.constant 3088 : i32
          %broadcast_in_dim3A_221 = vector.broadcast %jit3A_220 : i32 to vector<16xi32>
          %select_n3A_222 = arith.select %ge3A_210, %sub3A_219, %broadcast_in_dim3A_221 : vector<16xi1>, vector<16xi32>
          tpu.vector_store_idx %arg10[%select_n3A_222], %get3A_209 masked %ge3A_210 : memref<3104xf32, #tpu.memory_space<vmem>>[vector<16xi32>], vector<16xf32>, vector<16xi1>
          %slice3A_223 = vector.extract_strided_slice %masked_cumsum3A_214 {offsets = [15], sizes = [1], strides = [1]} : vector<16xi32> to vector<1xi32>
          %squeeze3A_224 = vector.extract %slice3A_223[0] : i32 from vector<1xi32>
          %add3A_225 = arith.addi %add3A_206, %squeeze3A_224 : i32
          %get3A_226 = arith.index_cast %scan3A_93 : i32 to index
          %get3A_227 = arith.constant 112 : index
          %get3A_228 = tpu.vector_load %arg8[%get3A_226, %get3A_227] {strides = array<i32>} : memref<24x128xf32, #tpu.memory_space<vmem>>, vector<16xf32>,
          %ge3A_229 = arith.cmpf oge, %get3A_228, %broadcast_in_dim3A_37 : vector<16xf32>
          %convert_element_type3A_230 = arith.extui %ge3A_229 : vector<16xi1> to vector<16xi32>
          %broadcast_in_dim3A_231 = arith.constant true
          %broadcast_in_dim3A_232 = vector.broadcast %broadcast_in_dim3A_231 : i1 to vector<16xi1>
          %masked_cumsum3A_233 = tpu.scan <sum>, %convert_element_type3A_230 masked %broadcast_in_dim3A_232 : vector<16xi32>, vector<16xi1> -> vector<16xi32>
          %add3A_234 = vector.broadcast %add3A_225 : i32 to vector<16xi32>
          %add3A_235 = arith.addi %add3A_234, %masked_cumsum3A_233 : vector<16xi32>
          %sub3A_236 = arith.constant 1 : i32
          %sub3A_237 = vector.broadcast %sub3A_236 : i32 to vector<16xi32>
          %sub3A_238 = arith.subi %add3A_235, %sub3A_237 : vector<16xi32>
          %jit3A_239 = arith.constant 3088 : i32
          %broadcast_in_dim3A_240 = vector.broadcast %jit3A_239 : i32 to vector<16xi32>
          %select_n3A_241 = arith.select %ge3A_229, %sub3A_238, %broadcast_in_dim3A_240 : vector<16xi1>, vector<16xi32>
          tpu.vector_store_idx %arg10[%select_n3A_241], %get3A_228 masked %ge3A_229 : memref<3104xf32, #tpu.memory_space<vmem>>[vector<16xi32>], vector<16xf32>, vector<16xi1>
          %slice3A_242 = vector.extract_strided_slice %masked_cumsum3A_233 {offsets = [15], sizes = [1], strides = [1]} : vector<16xi32> to vector<1xi32>
          %squeeze3A_243 = vector.extract %slice3A_242[0] : i32 from vector<1xi32>
          %add3A_244 = arith.addi %add3A_225, %squeeze3A_243 : i32
          scf.yield %add3A_244 : i32
        }
        %scan3A_92 = arith.constant 24 : i32
        scf.yield %scan3A_91 : i32
      } else {
        %dma_wait3A = arith.constant 0 : i32
        %dma_wait3A_81 = tpu.memref_slice %arg6[%scan3A_16, %dma_wait3A] : memref<256x40xi32, #tpu.memory_space<vmem>> -> memref<1x24xi32, #tpu.memory_space<vmem>>
        %dma_wait3A_82 = tpu.memref_squeeze %dma_wait3A_81 : memref<1x24xi32, #tpu.memory_space<vmem>> -> memref<24xi32, #tpu.memory_space<vmem>>
        %dma_wait3A_83 = arith.constant 0 : i32
        %dma_wait3A_84 = arith.constant 0 : i32
        %dma_wait3A_85 = tpu.memref_slice %arg2[%dma_wait3A_83, %dma_wait3A_84] : memref<786432x128xf32, #tpu.memory_space<hbm>> -> memref<786432x128xf32, #tpu.memory_space<hbm>>
        tpu.wait_indirect_dma semaphore(%arg13 : memref<!tpu.dma_semaphore, #tpu.memory_space<semaphore_mem>>) src(%dma_wait3A_85 : memref<786432x128xf32, #tpu.memory_space<hbm>>) dst(%arg9 : memref<24x128xf32, #tpu.memory_space<vmem>>)
        %scan3A_86 = arith.constant 0 : i32
        %scan3A_87 = arith.constant 0 : i32
        %scan3A_88 = arith.constant 24 : i32
        %scan3A_89 = arith.addi %scan3A_87, %scan3A_88 : i32
        %scan3A_90 = arith.constant 1 : i32
        %scan3A_91 = scf.for %scan3A_93 = %scan3A_87 to %scan3A_89 step %scan3A_90 iter_args(%scan3A_94 = %scan3A_86) -> (i32)  : i32 {
          %get3A_95 = arith.index_cast %scan3A_93 : i32 to index
          %get3A_96 = arith.constant 0 : index
          %get3A_97 = tpu.vector_load %arg9[%get3A_95, %get3A_96] {strides = array<i32>} : memref<24x128xf32, #tpu.memory_space<vmem>>, vector<16xf32>,
          %ge3A = arith.cmpf oge, %get3A_97, %broadcast_in_dim3A_37 : vector<16xf32>
          %convert_element_type3A_98 = arith.extui %ge3A : vector<16xi1> to vector<16xi32>
          %broadcast_in_dim3A_99 = arith.constant true
          %broadcast_in_dim3A_100 = vector.broadcast %broadcast_in_dim3A_99 : i1 to vector<16xi1>
          %masked_cumsum3A = tpu.scan <sum>, %convert_element_type3A_98 masked %broadcast_in_dim3A_100 : vector<16xi32>, vector<16xi1> -> vector<16xi32>
          %add3A_101 = vector.broadcast %scan3A_94 : i32 to vector<16xi32>
          %add3A_102 = arith.addi %add3A_101, %masked_cumsum3A : vector<16xi32>
          %sub3A_103 = arith.constant 1 : i32
          %sub3A_104 = vector.broadcast %sub3A_103 : i32 to vector<16xi32>
          %sub3A_105 = arith.subi %add3A_102, %sub3A_104 : vector<16xi32>
          %jit3A_106 = arith.constant 3088 : i32
          %broadcast_in_dim3A_107 = vector.broadcast %jit3A_106 : i32 to vector<16xi32>
          %select_n3A_108 = arith.select %ge3A, %sub3A_105, %broadcast_in_dim3A_107 : vector<16xi1>, vector<16xi32>
          tpu.vector_store_idx %arg10[%select_n3A_108], %get3A_97 masked %ge3A : memref<3104xf32, #tpu.memory_space<vmem>>[vector<16xi32>], vector<16xf32>, vector<16xi1>
          %slice3A_109 = vector.extract_strided_slice %masked_cumsum3A {offsets = [15], sizes = [1], strides = [1]} : vector<16xi32> to vector<1xi32>
          %squeeze3A_110 = vector.extract %slice3A_109[0] : i32 from vector<1xi32>
          %add3A_111 = arith.addi %scan3A_94, %squeeze3A_110 : i32
          %get3A_112 = arith.index_cast %scan3A_93 : i32 to index
          %get3A_113 = arith.constant 16 : index
          %get3A_114 = tpu.vector_load %arg9[%get3A_112, %get3A_113] {strides = array<i32>} : memref<24x128xf32, #tpu.memory_space<vmem>>, vector<16xf32>,
          %ge3A_115 = arith.cmpf oge, %get3A_114, %broadcast_in_dim3A_37 : vector<16xf32>
          %convert_element_type3A_116 = arith.extui %ge3A_115 : vector<16xi1> to vector<16xi32>
          %broadcast_in_dim3A_117 = arith.constant true
          %broadcast_in_dim3A_118 = vector.broadcast %broadcast_in_dim3A_117 : i1 to vector<16xi1>
          %masked_cumsum3A_119 = tpu.scan <sum>, %convert_element_type3A_116 masked %broadcast_in_dim3A_118 : vector<16xi32>, vector<16xi1> -> vector<16xi32>
          %add3A_120 = vector.broadcast %add3A_111 : i32 to vector<16xi32>
          %add3A_121 = arith.addi %add3A_120, %masked_cumsum3A_119 : vector<16xi32>
          %sub3A_122 = arith.constant 1 : i32
          %sub3A_123 = vector.broadcast %sub3A_122 : i32 to vector<16xi32>
          %sub3A_124 = arith.subi %add3A_121, %sub3A_123 : vector<16xi32>
          %jit3A_125 = arith.constant 3088 : i32
          %broadcast_in_dim3A_126 = vector.broadcast %jit3A_125 : i32 to vector<16xi32>
          %select_n3A_127 = arith.select %ge3A_115, %sub3A_124, %broadcast_in_dim3A_126 : vector<16xi1>, vector<16xi32>
          tpu.vector_store_idx %arg10[%select_n3A_127], %get3A_114 masked %ge3A_115 : memref<3104xf32, #tpu.memory_space<vmem>>[vector<16xi32>], vector<16xf32>, vector<16xi1>
          %slice3A_128 = vector.extract_strided_slice %masked_cumsum3A_119 {offsets = [15], sizes = [1], strides = [1]} : vector<16xi32> to vector<1xi32>
          %squeeze3A_129 = vector.extract %slice3A_128[0] : i32 from vector<1xi32>
          %add3A_130 = arith.addi %add3A_111, %squeeze3A_129 : i32
          %get3A_131 = arith.index_cast %scan3A_93 : i32 to index
          %get3A_132 = arith.constant 32 : index
          %get3A_133 = tpu.vector_load %arg9[%get3A_131, %get3A_132] {strides = array<i32>} : memref<24x128xf32, #tpu.memory_space<vmem>>, vector<16xf32>,
          %ge3A_134 = arith.cmpf oge, %get3A_133, %broadcast_in_dim3A_37 : vector<16xf32>
          %convert_element_type3A_135 = arith.extui %ge3A_134 : vector<16xi1> to vector<16xi32>
          %broadcast_in_dim3A_136 = arith.constant true
          %broadcast_in_dim3A_137 = vector.broadcast %broadcast_in_dim3A_136 : i1 to vector<16xi1>
          %masked_cumsum3A_138 = tpu.scan <sum>, %convert_element_type3A_135 masked %broadcast_in_dim3A_137 : vector<16xi32>, vector<16xi1> -> vector<16xi32>
          %add3A_139 = vector.broadcast %add3A_130 : i32 to vector<16xi32>
          %add3A_140 = arith.addi %add3A_139, %masked_cumsum3A_138 : vector<16xi32>
          %sub3A_141 = arith.constant 1 : i32
          %sub3A_142 = vector.broadcast %sub3A_141 : i32 to vector<16xi32>
          %sub3A_143 = arith.subi %add3A_140, %sub3A_142 : vector<16xi32>
          %jit3A_144 = arith.constant 3088 : i32
          %broadcast_in_dim3A_145 = vector.broadcast %jit3A_144 : i32 to vector<16xi32>
          %select_n3A_146 = arith.select %ge3A_134, %sub3A_143, %broadcast_in_dim3A_145 : vector<16xi1>, vector<16xi32>
          tpu.vector_store_idx %arg10[%select_n3A_146], %get3A_133 masked %ge3A_134 : memref<3104xf32, #tpu.memory_space<vmem>>[vector<16xi32>], vector<16xf32>, vector<16xi1>
          %slice3A_147 = vector.extract_strided_slice %masked_cumsum3A_138 {offsets = [15], sizes = [1], strides = [1]} : vector<16xi32> to vector<1xi32>
          %squeeze3A_148 = vector.extract %slice3A_147[0] : i32 from vector<1xi32>
          %add3A_149 = arith.addi %add3A_130, %squeeze3A_148 : i32
          %get3A_150 = arith.index_cast %scan3A_93 : i32 to index
          %get3A_151 = arith.constant 48 : index
          %get3A_152 = tpu.vector_load %arg9[%get3A_150, %get3A_151] {strides = array<i32>} : memref<24x128xf32, #tpu.memory_space<vmem>>, vector<16xf32>,
          %ge3A_153 = arith.cmpf oge, %get3A_152, %broadcast_in_dim3A_37 : vector<16xf32>
          %convert_element_type3A_154 = arith.extui %ge3A_153 : vector<16xi1> to vector<16xi32>
          %broadcast_in_dim3A_155 = arith.constant true
          %broadcast_in_dim3A_156 = vector.broadcast %broadcast_in_dim3A_155 : i1 to vector<16xi1>
          %masked_cumsum3A_157 = tpu.scan <sum>, %convert_element_type3A_154 masked %broadcast_in_dim3A_156 : vector<16xi32>, vector<16xi1> -> vector<16xi32>
          %add3A_158 = vector.broadcast %add3A_149 : i32 to vector<16xi32>
          %add3A_159 = arith.addi %add3A_158, %masked_cumsum3A_157 : vector<16xi32>
          %sub3A_160 = arith.constant 1 : i32
          %sub3A_161 = vector.broadcast %sub3A_160 : i32 to vector<16xi32>
          %sub3A_162 = arith.subi %add3A_159, %sub3A_161 : vector<16xi32>
          %jit3A_163 = arith.constant 3088 : i32
          %broadcast_in_dim3A_164 = vector.broadcast %jit3A_163 : i32 to vector<16xi32>
          %select_n3A_165 = arith.select %ge3A_153, %sub3A_162, %broadcast_in_dim3A_164 : vector<16xi1>, vector<16xi32>
          tpu.vector_store_idx %arg10[%select_n3A_165], %get3A_152 masked %ge3A_153 : memref<3104xf32, #tpu.memory_space<vmem>>[vector<16xi32>], vector<16xf32>, vector<16xi1>
          %slice3A_166 = vector.extract_strided_slice %masked_cumsum3A_157 {offsets = [15], sizes = [1], strides = [1]} : vector<16xi32> to vector<1xi32>
          %squeeze3A_167 = vector.extract %slice3A_166[0] : i32 from vector<1xi32>
          %add3A_168 = arith.addi %add3A_149, %squeeze3A_167 : i32
          %get3A_169 = arith.index_cast %scan3A_93 : i32 to index
          %get3A_170 = arith.constant 64 : index
          %get3A_171 = tpu.vector_load %arg9[%get3A_169, %get3A_170] {strides = array<i32>} : memref<24x128xf32, #tpu.memory_space<vmem>>, vector<16xf32>,
          %ge3A_172 = arith.cmpf oge, %get3A_171, %broadcast_in_dim3A_37 : vector<16xf32>
          %convert_element_type3A_173 = arith.extui %ge3A_172 : vector<16xi1> to vector<16xi32>
          %broadcast_in_dim3A_174 = arith.constant true
          %broadcast_in_dim3A_175 = vector.broadcast %broadcast_in_dim3A_174 : i1 to vector<16xi1>
          %masked_cumsum3A_176 = tpu.scan <sum>, %convert_element_type3A_173 masked %broadcast_in_dim3A_175 : vector<16xi32>, vector<16xi1> -> vector<16xi32>
          %add3A_177 = vector.broadcast %add3A_168 : i32 to vector<16xi32>
          %add3A_178 = arith.addi %add3A_177, %masked_cumsum3A_176 : vector<16xi32>
          %sub3A_179 = arith.constant 1 : i32
          %sub3A_180 = vector.broadcast %sub3A_179 : i32 to vector<16xi32>
          %sub3A_181 = arith.subi %add3A_178, %sub3A_180 : vector<16xi32>
          %jit3A_182 = arith.constant 3088 : i32
          %broadcast_in_dim3A_183 = vector.broadcast %jit3A_182 : i32 to vector<16xi32>
          %select_n3A_184 = arith.select %ge3A_172, %sub3A_181, %broadcast_in_dim3A_183 : vector<16xi1>, vector<16xi32>
          tpu.vector_store_idx %arg10[%select_n3A_184], %get3A_171 masked %ge3A_172 : memref<3104xf32, #tpu.memory_space<vmem>>[vector<16xi32>], vector<16xf32>, vector<16xi1>
          %slice3A_185 = vector.extract_strided_slice %masked_cumsum3A_176 {offsets = [15], sizes = [1], strides = [1]} : vector<16xi32> to vector<1xi32>
          %squeeze3A_186 = vector.extract %slice3A_185[0] : i32 from vector<1xi32>
          %add3A_187 = arith.addi %add3A_168, %squeeze3A_186 : i32
          %get3A_188 = arith.index_cast %scan3A_93 : i32 to index
          %get3A_189 = arith.constant 80 : index
          %get3A_190 = tpu.vector_load %arg9[%get3A_188, %get3A_189] {strides = array<i32>} : memref<24x128xf32, #tpu.memory_space<vmem>>, vector<16xf32>,
          %ge3A_191 = arith.cmpf oge, %get3A_190, %broadcast_in_dim3A_37 : vector<16xf32>
          %convert_element_type3A_192 = arith.extui %ge3A_191 : vector<16xi1> to vector<16xi32>
          %broadcast_in_dim3A_193 = arith.constant true
          %broadcast_in_dim3A_194 = vector.broadcast %broadcast_in_dim3A_193 : i1 to vector<16xi1>
          %masked_cumsum3A_195 = tpu.scan <sum>, %convert_element_type3A_192 masked %broadcast_in_dim3A_194 : vector<16xi32>, vector<16xi1> -> vector<16xi32>
          %add3A_196 = vector.broadcast %add3A_187 : i32 to vector<16xi32>
          %add3A_197 = arith.addi %add3A_196, %masked_cumsum3A_195 : vector<16xi32>
          %sub3A_198 = arith.constant 1 : i32
          %sub3A_199 = vector.broadcast %sub3A_198 : i32 to vector<16xi32>
          %sub3A_200 = arith.subi %add3A_197, %sub3A_199 : vector<16xi32>
          %jit3A_201 = arith.constant 3088 : i32
          %broadcast_in_dim3A_202 = vector.broadcast %jit3A_201 : i32 to vector<16xi32>
          %select_n3A_203 = arith.select %ge3A_191, %sub3A_200, %broadcast_in_dim3A_202 : vector<16xi1>, vector<16xi32>
          tpu.vector_store_idx %arg10[%select_n3A_203], %get3A_190 masked %ge3A_191 : memref<3104xf32, #tpu.memory_space<vmem>>[vector<16xi32>], vector<16xf32>, vector<16xi1>
          %slice3A_204 = vector.extract_strided_slice %masked_cumsum3A_195 {offsets = [15], sizes = [1], strides = [1]} : vector<16xi32> to vector<1xi32>
          %squeeze3A_205 = vector.extract %slice3A_204[0] : i32 from vector<1xi32>
          %add3A_206 = arith.addi %add3A_187, %squeeze3A_205 : i32
          %get3A_207 = arith.index_cast %scan3A_93 : i32 to index
          %get3A_208 = arith.constant 96 : index
          %get3A_209 = tpu.vector_load %arg9[%get3A_207, %get3A_208] {strides = array<i32>} : memref<24x128xf32, #tpu.memory_space<vmem>>, vector<16xf32>,
          %ge3A_210 = arith.cmpf oge, %get3A_209, %broadcast_in_dim3A_37 : vector<16xf32>
          %convert_element_type3A_211 = arith.extui %ge3A_210 : vector<16xi1> to vector<16xi32>
          %broadcast_in_dim3A_212 = arith.constant true
          %broadcast_in_dim3A_213 = vector.broadcast %broadcast_in_dim3A_212 : i1 to vector<16xi1>
          %masked_cumsum3A_214 = tpu.scan <sum>, %convert_element_type3A_211 masked %broadcast_in_dim3A_213 : vector<16xi32>, vector<16xi1> -> vector<16xi32>
          %add3A_215 = vector.broadcast %add3A_206 : i32 to vector<16xi32>
          %add3A_216 = arith.addi %add3A_215, %masked_cumsum3A_214 : vector<16xi32>
          %sub3A_217 = arith.constant 1 : i32
          %sub3A_218 = vector.broadcast %sub3A_217 : i32 to vector<16xi32>
          %sub3A_219 = arith.subi %add3A_216, %sub3A_218 : vector<16xi32>
          %jit3A_220 = arith.constant 3088 : i32
          %broadcast_in_dim3A_221 = vector.broadcast %jit3A_220 : i32 to vector<16xi32>
          %select_n3A_222 = arith.select %ge3A_210, %sub3A_219, %broadcast_in_dim3A_221 : vector<16xi1>, vector<16xi32>
          tpu.vector_store_idx %arg10[%select_n3A_222], %get3A_209 masked %ge3A_210 : memref<3104xf32, #tpu.memory_space<vmem>>[vector<16xi32>], vector<16xf32>, vector<16xi1>
          %slice3A_223 = vector.extract_strided_slice %masked_cumsum3A_214 {offsets = [15], sizes = [1], strides = [1]} : vector<16xi32> to vector<1xi32>
          %squeeze3A_224 = vector.extract %slice3A_223[0] : i32 from vector<1xi32>
          %add3A_225 = arith.addi %add3A_206, %squeeze3A_224 : i32
          %get3A_226 = arith.index_cast %scan3A_93 : i32 to index
          %get3A_227 = arith.constant 112 : index
          %get3A_228 = tpu.vector_load %arg9[%get3A_226, %get3A_227] {strides = array<i32>} : memref<24x128xf32, #tpu.memory_space<vmem>>, vector<16xf32>,
          %ge3A_229 = arith.cmpf oge, %get3A_228, %broadcast_in_dim3A_37 : vector<16xf32>
          %convert_element_type3A_230 = arith.extui %ge3A_229 : vector<16xi1> to vector<16xi32>
          %broadcast_in_dim3A_231 = arith.constant true
          %broadcast_in_dim3A_232 = vector.broadcast %broadcast_in_dim3A_231 : i1 to vector<16xi1>
          %masked_cumsum3A_233 = tpu.scan <sum>, %convert_element_type3A_230 masked %broadcast_in_dim3A_232 : vector<16xi32>, vector<16xi1> -> vector<16xi32>
          %add3A_234 = vector.broadcast %add3A_225 : i32 to vector<16xi32>
          %add3A_235 = arith.addi %add3A_234, %masked_cumsum3A_233 : vector<16xi32>
          %sub3A_236 = arith.constant 1 : i32
          %sub3A_237 = vector.broadcast %sub3A_236 : i32 to vector<16xi32>
          %sub3A_238 = arith.subi %add3A_235, %sub3A_237 : vector<16xi32>
          %jit3A_239 = arith.constant 3088 : i32
          %broadcast_in_dim3A_240 = vector.broadcast %jit3A_239 : i32 to vector<16xi32>
          %select_n3A_241 = arith.select %ge3A_229, %sub3A_238, %broadcast_in_dim3A_240 : vector<16xi1>, vector<16xi32>
          tpu.vector_store_idx %arg10[%select_n3A_241], %get3A_228 masked %ge3A_229 : memref<3104xf32, #tpu.memory_space<vmem>>[vector<16xi32>], vector<16xf32>, vector<16xi1>
          %slice3A_242 = vector.extract_strided_slice %masked_cumsum3A_233 {offsets = [15], sizes = [1], strides = [1]} : vector<16xi32> to vector<1xi32>
          %squeeze3A_243 = vector.extract %slice3A_242[0] : i32 from vector<1xi32>
          %add3A_244 = arith.addi %add3A_225, %squeeze3A_243 : i32
          scf.yield %add3A_244 : i32
        }
        %scan3A_92 = arith.constant 24 : i32
        scf.yield %scan3A_91 : i32
      }
      %swap3A = arith.index_cast %cond3A_45 : i32 to index
      %swap3A_46 = tpu.vector_load %arg10[%swap3A] {strides = array<i32>} : memref<3104xf32, #tpu.memory_space<vmem>>, vector<16xf32>,
      tpu.vector_store %arg10[%swap3A], %broadcast_in_dim3A_3 {strides = array<i32>} : memref<3104xf32, #tpu.memory_space<vmem>>, vector<16xf32>,
      %add3A_47 = arith.constant 16 : i32
      %add3A_48 = arith.addi %cond3A_45, %add3A_47 : i32
      %swap3A_49 = arith.index_cast %add3A_48 : i32 to index
      %swap3A_50 = tpu.vector_load %arg10[%swap3A_49] {strides = array<i32>} : memref<3104xf32, #tpu.memory_space<vmem>>, vector<16xf32>,
      tpu.vector_store %arg10[%swap3A_49], %broadcast_in_dim3A_3 {strides = array<i32>} : memref<3104xf32, #tpu.memory_space<vmem>>, vector<16xf32>,
      %add3A_51 = arith.constant 15 : i32
      %add3A_52 = arith.addi %cond3A_45, %add3A_51 : i32
      %jit3A = arith.constant 16 : i32
      %div3A = arith.divsi %add3A_52, %jit3A : i32
      %sign3A = arith.constant 0 : i32
      %sign3A_53 = arith.cmpi sgt, %add3A_52, %sign3A : i32
      %sign3A_54 = arith.extui %sign3A_53 : i1 to i32
      %sign3A_55 = arith.constant 0 : i32
      %sign3A_56 = arith.cmpi slt, %add3A_52, %sign3A_55 : i32
      %sign3A_57 = arith.extui %sign3A_56 : i1 to i32
      %sign3A_58 = arith.subi %sign3A_54, %sign3A_57 : i32
      %sign3A_59 = arith.constant 0 : i32
      %sign3A_60 = arith.cmpi sgt, %jit3A, %sign3A_59 : i32
      %sign3A_61 = arith.extui %sign3A_60 : i1 to i32
      %sign3A_62 = arith.constant 0 : i32
      %sign3A_63 = arith.cmpi slt, %jit3A, %sign3A_62 : i32
      %sign3A_64 = arith.extui %sign3A_63 : i1 to i32
      %sign3A_65 = arith.subi %sign3A_61, %sign3A_64 : i32
      %ne3A = arith.cmpi ne, %sign3A_58, %sign3A_65 : i32
      %rem3A_66 = arith.remsi %add3A_52, %jit3A : i32
      %ne3A_67 = arith.constant 0 : i32
      %ne3A_68 = arith.cmpi ne, %rem3A_66, %ne3A_67 : i32
      %and3A_69 = arith.andi %ne3A, %ne3A_68 : i1
      %sub3A = arith.constant 1 : i32
      %sub3A_70 = arith.subi %div3A, %sub3A : i32
      %select_n3A = arith.select %and3A_69, %sub3A_70, %div3A : i32
      %le3A = arith.constant 48 : i32
      %le3A_71 = arith.cmpi sle, %cond3A_45, %le3A : i32
      %convert_element_type3A_72 = arith.extui %le3A_71 : i1 to i32
      %cond3A_73 = arith.constant 0 : i32
      %cond3A_74 = arith.cmpi ne, %convert_element_type3A_72, %cond3A_73 : i32
      %cond3A_75 = scf.if %cond3A_74 -> (f32) {
        %scan3A_81 = arith.constant 0.000000e+00 : f32
        %scan3A_82 = arith.constant 0 : i32
        %scan3A_83 = arith.constant 20 : i32
        %scan3A_84 = arith.addi %scan3A_82, %scan3A_83 : i32
        %scan3A_85 = arith.constant 1 : i32
        %scan3A_86 = scf.for %scan3A_88 = %scan3A_82 to %scan3A_84 step %scan3A_85 iter_args(%scan3A_89 = %scan3A_81) -> (f32)  : i32 {
          %get3A_90 = arith.constant 0 : index
          %get3A_91 = tpu.vector_load %arg10[%get3A_90] {strides = array<i32>} : memref<3104xf32, #tpu.memory_space<vmem>>, vector<16xf32>,
          %get3A_92 = arith.constant 16 : index
          %get3A_93 = tpu.vector_load %arg10[%get3A_92] {strides = array<i32>} : memref<3104xf32, #tpu.memory_space<vmem>>, vector<16xf32>,
          %get3A_94 = arith.constant 32 : index
          %get3A_95 = tpu.vector_load %arg10[%get3A_94] {strides = array<i32>} : memref<3104xf32, #tpu.memory_space<vmem>>, vector<16xf32>,
          %max3A = arith.maximumf %get3A_91, %get3A_93 : vector<16xf32>
          %max3A_96 = arith.maximumf %max3A, %get3A_95 : vector<16xf32>
          %reduce_max3A = arith.constant true
          %reduce_max3A_97 = vector.broadcast %reduce_max3A : i1 to vector<16xi1>
          %reduce_max3A_98 = tpu.scan <max>, %max3A_96 masked %reduce_max3A_97 : vector<16xf32>, vector<16xi1> -> vector<16xf32>
          %reduce_max3A_99 = vector.extract %reduce_max3A_98[15] : f32 from vector<16xf32>
          %broadcast_in_dim3A_100 = vector.broadcast %reduce_max3A_99 : f32 to vector<16xf32>
          %ge3A = arith.cmpf oge, %get3A_91, %broadcast_in_dim3A_100 : vector<16xf32>
          %jit3A_101 = arith.constant 0xFF800000 : f32
          %broadcast_in_dim3A_102 = vector.broadcast %jit3A_101 : f32 to vector<16xf32>
          %select_n3A_103 = arith.select %ge3A, %broadcast_in_dim3A_102, %get3A_91 : vector<16xi1>, vector<16xf32>
          %swap3A_104 = arith.constant 0 : index
          %swap3A_105 = tpu.vector_load %arg10[%swap3A_104] {strides = array<i32>} : memref<3104xf32, #tpu.memory_space<vmem>>, vector<16xf32>,
          tpu.vector_store %arg10[%swap3A_104], %select_n3A_103 {strides = array<i32>} : memref<3104xf32, #tpu.memory_space<vmem>>, vector<16xf32>,
          %ge3A_106 = arith.cmpf oge, %get3A_93, %broadcast_in_dim3A_100 : vector<16xf32>
          %jit3A_107 = arith.constant 0xFF800000 : f32
          %broadcast_in_dim3A_108 = vector.broadcast %jit3A_107 : f32 to vector<16xf32>
          %select_n3A_109 = arith.select %ge3A_106, %broadcast_in_dim3A_108, %get3A_93 : vector<16xi1>, vector<16xf32>
          %swap3A_110 = arith.constant 16 : index
          %swap3A_111 = tpu.vector_load %arg10[%swap3A_110] {strides = array<i32>} : memref<3104xf32, #tpu.memory_space<vmem>>, vector<16xf32>,
          tpu.vector_store %arg10[%swap3A_110], %select_n3A_109 {strides = array<i32>} : memref<3104xf32, #tpu.memory_space<vmem>>, vector<16xf32>,
          %ge3A_112 = arith.cmpf oge, %get3A_95, %broadcast_in_dim3A_100 : vector<16xf32>
          %jit3A_113 = arith.constant 0xFF800000 : f32
          %broadcast_in_dim3A_114 = vector.broadcast %jit3A_113 : f32 to vector<16xf32>
          %select_n3A_115 = arith.select %ge3A_112, %broadcast_in_dim3A_114, %get3A_95 : vector<16xi1>, vector<16xf32>
          %swap3A_116 = arith.constant 32 : index
          %swap3A_117 = tpu.vector_load %arg10[%swap3A_116] {strides = array<i32>} : memref<3104xf32, #tpu.memory_space<vmem>>, vector<16xf32>,
          tpu.vector_store %arg10[%swap3A_116], %select_n3A_115 {strides = array<i32>} : memref<3104xf32, #tpu.memory_space<vmem>>, vector<16xf32>,
          scf.yield %reduce_max3A_99 : f32
        }
        %scan3A_87 = arith.constant 20 : i32
        scf.yield %scan3A_86 : f32
      } else {
        %scan3A_81 = arith.constant 0.000000e+00 : f32
        %scan3A_82 = arith.constant 0 : i32
        %scan3A_83 = arith.constant 20 : i32
        %scan3A_84 = arith.addi %scan3A_82, %scan3A_83 : i32
        %scan3A_85 = arith.constant 1 : i32
        %scan3A_86 = scf.for %scan3A_88 = %scan3A_82 to %scan3A_84 step %scan3A_85 iter_args(%scan3A_89 = %scan3A_81) -> (f32)  : i32 {
          %while3A = arith.constant 0 : i32
          %while3A_90 = arith.subi %select_n3A, %while3A : i32
          %while3A_91 = arith.addi %while3A, %while3A_90 : i32
          %while3A_92 = arith.constant 1 : i32
          %while3A_93 = arith.divsi %while3A_90, %while3A_92 : i32
          %while3A_94 = arith.muli %while3A_93, %while3A_92 : i32
          %while3A_95 = arith.addi %while3A, %while3A_94 : i32
          %while3A_96 = arith.constant 1 : i32
          %while3A_97 = scf.for %while3A_114 = %while3A to %while3A_95 step %while3A_96 iter_args(%while3A_115 = %broadcast_in_dim3A_3) -> (vector<16xf32>)  : i32 {
            %mul3A_116 = arith.constant 16 : i32
            %mul3A_117 = arith.muli %while3A_114, %mul3A_116 : i32
            %get3A_118 = arith.index_cast %mul3A_117 : i32 to index
            %get3A_119 = tpu.vector_load %arg10[%get3A_118] {strides = array<i32>} : memref<3104xf32, #tpu.memory_space<vmem>>, vector<16xf32>,
            %max3A = arith.maximumf %while3A_115, %get3A_119 : vector<16xf32>
            scf.yield %max3A : vector<16xf32>
          }
          %while3A_98 = arith.constant 1 : i32
          %while3A_99 = scf.for %while3A_114 = %while3A_95 to %while3A_91 step %while3A_98 iter_args(%while3A_115 = %while3A_97) -> (vector<16xf32>)  : i32 {
            %mul3A_116 = arith.constant 16 : i32
            %mul3A_117 = arith.muli %while3A_114, %mul3A_116 : i32
            %get3A_118 = arith.index_cast %mul3A_117 : i32 to index
            %get3A_119 = tpu.vector_load %arg10[%get3A_118] {strides = array<i32>} : memref<3104xf32, #tpu.memory_space<vmem>>, vector<16xf32>,
            %max3A = arith.maximumf %while3A_115, %get3A_119 : vector<16xf32>
            scf.yield %max3A : vector<16xf32>
          }
          %reduce_max3A = arith.constant true
          %reduce_max3A_100 = vector.broadcast %reduce_max3A : i1 to vector<16xi1>
          %reduce_max3A_101 = tpu.scan <max>, %while3A_99 masked %reduce_max3A_100 : vector<16xf32>, vector<16xi1> -> vector<16xf32>
          %reduce_max3A_102 = vector.extract %reduce_max3A_101[15] : f32 from vector<16xf32>
          %broadcast_in_dim3A_103 = vector.broadcast %reduce_max3A_102 : f32 to vector<16xf32>
          %while3A_104 = arith.constant 0 : i32
          %while3A_105 = arith.constant 0 : i32
          %while3A_106 = arith.subi %select_n3A, %while3A_105 : i32
          %while3A_107 = arith.addi %while3A_105, %while3A_106 : i32
          %while3A_108 = arith.constant 1 : i32
          %while3A_109 = arith.divsi %while3A_106, %while3A_108 : i32
          %while3A_110 = arith.muli %while3A_109, %while3A_108 : i32
          %while3A_111 = arith.addi %while3A_105, %while3A_110 : i32
          %while3A_112 = arith.constant 1 : i32
          scf.for %while3A_114 = %while3A_105 to %while3A_111 step %while3A_112  : i32 {
            %mul3A_115 = arith.constant 16 : i32
            %mul3A_116 = arith.muli %while3A_114, %mul3A_115 : i32
            %get3A_117 = arith.index_cast %mul3A_116 : i32 to index
            %get3A_118 = tpu.vector_load %arg10[%get3A_117] {strides = array<i32>} : memref<3104xf32, #tpu.memory_space<vmem>>, vector<16xf32>,
            %ge3A = arith.cmpf oge, %get3A_118, %broadcast_in_dim3A_103 : vector<16xf32>
            %jit3A_119 = arith.constant 0xFF800000 : f32
            %broadcast_in_dim3A_120 = vector.broadcast %jit3A_119 : f32 to vector<16xf32>
            %select_n3A_121 = arith.select %ge3A, %broadcast_in_dim3A_120, %get3A_118 : vector<16xi1>, vector<16xf32>
            %mul3A_122 = arith.constant 16 : i32
            %mul3A_123 = arith.muli %while3A_114, %mul3A_122 : i32
            %swap3A_124 = arith.index_cast %mul3A_123 : i32 to index
            %swap3A_125 = tpu.vector_load %arg10[%swap3A_124] {strides = array<i32>} : memref<3104xf32, #tpu.memory_space<vmem>>, vector<16xf32>,
            tpu.vector_store %arg10[%swap3A_124], %select_n3A_121 {strides = array<i32>} : memref<3104xf32, #tpu.memory_space<vmem>>, vector<16xf32>,
          }
          %while3A_113 = arith.constant 1 : i32
          scf.for %while3A_114 = %while3A_111 to %while3A_107 step %while3A_113  : i32 {
            %mul3A_115 = arith.constant 16 : i32
            %mul3A_116 = arith.muli %while3A_114, %mul3A_115 : i32
            %get3A_117 = arith.index_cast %mul3A_116 : i32 to index
            %get3A_118 = tpu.vector_load %arg10[%get3A_117] {strides = array<i32>} : memref<3104xf32, #tpu.memory_space<vmem>>, vector<16xf32>,
            %ge3A = arith.cmpf oge, %get3A_118, %broadcast_in_dim3A_103 : vector<16xf32>
            %jit3A_119 = arith.constant 0xFF800000 : f32
            %broadcast_in_dim3A_120 = vector.broadcast %jit3A_119 : f32 to vector<16xf32>
            %select_n3A_121 = arith.select %ge3A, %broadcast_in_dim3A_120, %get3A_118 : vector<16xi1>, vector<16xf32>
            %mul3A_122 = arith.constant 16 : i32
            %mul3A_123 = arith.muli %while3A_114, %mul3A_122 : i32
            %swap3A_124 = arith.index_cast %mul3A_123 : i32 to index
            %swap3A_125 = tpu.vector_load %arg10[%swap3A_124] {strides = array<i32>} : memref<3104xf32, #tpu.memory_space<vmem>>, vector<16xf32>,
            tpu.vector_store %arg10[%swap3A_124], %select_n3A_121 {strides = array<i32>} : memref<3104xf32, #tpu.memory_space<vmem>>, vector<16xf32>,
          }
          scf.yield %reduce_max3A_102 : f32
        }
        %scan3A_87 = arith.constant 20 : i32
        scf.yield %scan3A_86 : f32
      }
      %broadcast_in_dim3A_76 = vector.broadcast %cond3A_75 : f32 to vector<16xf32>
      %swap3A_77 = arith.index_cast %scan3A_16 : i32 to index
      %swap3A_78 = arith.constant 0 : index
      %swap3A_79 = tpu.vector_load %arg11[%swap3A_77, %swap3A_78] {strides = array<i32>} : memref<256x16xf32, #tpu.memory_space<vmem>>, vector<16xf32>,
      tpu.vector_store %arg11[%swap3A_77, %swap3A_78], %broadcast_in_dim3A_76 {strides = array<i32>} : memref<256x16xf32, #tpu.memory_space<vmem>>, vector<16xf32>,
      %scan3A_80 = arith.constant 0 : i32
      scf.yield %scan3A_80 : i32
    }
    %scan3A_15 = arith.constant 256 : i32
    "tpu.region"() ({
      %run_scoped3A = tpu.sem_alloc : memref<!tpu.dma_semaphore, #tpu.memory_space<semaphore_mem>>
      %dma_start3A_16 = arith.constant 0 : i32
      %dma_start3A_17 = tpu.memref_slice %arg5[%mul3A_2, %dma_start3A_16] : memref<8192x16xf32, #tpu.memory_space<hbm>> -> memref<256x16xf32, #tpu.memory_space<hbm>>
      %dma_start3A_18 = arith.constant 0 : i32
      %dma_start3A_19 = tpu.memref_slice %arg5[%mul3A_2, %dma_start3A_18] : memref<8192x16xf32, #tpu.memory_space<hbm>> -> memref<256x16xf32, #tpu.memory_space<hbm>>
      tpu.enqueue_dma source(%arg11 : memref<256x16xf32, #tpu.memory_space<vmem>>) target(%dma_start3A_19 : memref<256x16xf32, #tpu.memory_space<hbm>>) target_semaphore(%run_scoped3A : memref<!tpu.dma_semaphore, #tpu.memory_space<semaphore_mem>>)
      %dma_wait3A = arith.constant 0 : i32
      %dma_wait3A_20 = tpu.memref_slice %arg5[%mul3A_2, %dma_wait3A] : memref<8192x16xf32, #tpu.memory_space<hbm>> -> memref<256x16xf32, #tpu.memory_space<hbm>>
      %dma_wait3A_21 = arith.constant 0 : i32
      %dma_wait3A_22 = tpu.memref_slice %arg5[%mul3A_2, %dma_wait3A_21] : memref<8192x16xf32, #tpu.memory_space<hbm>> -> memref<256x16xf32, #tpu.memory_space<hbm>>
      tpu.wait_dma2 semaphore(%run_scoped3A : memref<!tpu.dma_semaphore, #tpu.memory_space<semaphore_mem>>) src(%arg11 : memref<256x16xf32, #tpu.memory_space<vmem>>) dst(%dma_wait3A_22 : memref<256x16xf32, #tpu.memory_space<hbm>>)
      tpu.yield
    }) : () -> ()
    return
  }
}

module attributes {stable_mosaic.version = 14 : i64} {
  func.func @_enc_body(%arg0: i32, %arg1: i32, %arg2: memref<256x768xf32, #tpu.memory_space<vmem>>, %arg3: memref<768x2048xf32, #tpu.memory_space<vmem>>, %arg4: memref<1x2048xf32, #tpu.memory_space<vmem>>, %arg5: memref<256x2048xf32, #tpu.memory_space<vmem>>, %arg6: memref<1x256x16xf32, #tpu.memory_space<vmem>>) attributes {dimension_semantics = [#tpu.dimension_semantics<parallel>, #tpu.dimension_semantics<parallel>], iteration_bounds = array<i64: 32, 6>, scalar_prefetch = 0 : i64, scratch_operands = 0 : i64, tpu.core_type = #tpu.core_type<tc>, window_params = [{transform_indices = @transform_0, window_bounds = array<i64: 256, 768>}, {transform_indices = @transform_1, window_bounds = array<i64: 768, 2048>}, {transform_indices = @transform_2, window_bounds = array<i64: 1, 2048>}, {transform_indices = @transform_3, window_bounds = array<i64: 256, 2048>}, {transform_indices = @transform_4, window_bounds = array<i64: 1, 256, 16>}]} {
    %get3A = arith.constant 0 : index
    %get3A_0 = arith.constant 0 : index
    %get3A_1 = vector.load %arg2[%get3A, %get3A_0] : memref<256x768xf32, #tpu.memory_space<vmem>>, vector<256x768xf32>
    %convert_element_type3A = arith.truncf %get3A_1 : vector<256x768xf32> to vector<256x768xbf16>
    %get3A_2 = arith.constant 0 : index
    %get3A_3 = arith.constant 0 : index
    %get3A_4 = vector.load %arg3[%get3A_2, %get3A_3] : memref<768x2048xf32, #tpu.memory_space<vmem>>, vector<768x2048xf32>
    %convert_element_type3A_5 = arith.truncf %get3A_4 : vector<768x2048xf32> to vector<768x2048xbf16>
    %dot_general3A = arith.constant dense<0.000000e+00> : vector<256x2048xf32>
    %dot_general3A_6 = tpu.matmul %convert_element_type3A, %convert_element_type3A_5, %dot_general3A {dimension_numbers = #tpu.dot_dimension_numbers<[1], [0], [0], [1], [0, 0, 1, 1], [], []>, transpose_lhs_hint = false} : vector<256x768xbf16>, vector<768x2048xbf16>, vector<256x2048xf32> -> vector<256x2048xf32>
    %get3A_7 = arith.constant 0 : index
    %get3A_8 = arith.constant 0 : index
    %get3A_9 = vector.load %arg4[%get3A_7, %get3A_8] : memref<1x2048xf32, #tpu.memory_space<vmem>>, vector<1x2048xf32>
    %add3A = vector.broadcast %get3A_9 : vector<1x2048xf32> to vector<256x2048xf32>
    %add3A_10 = arith.addf %dot_general3A_6, %add3A : vector<256x2048xf32>
    %swap3A = arith.constant 0 : index
    %swap3A_11 = arith.constant 0 : index
    %swap3A_12 = vector.load %arg5[%swap3A, %swap3A_11] : memref<256x2048xf32, #tpu.memory_space<vmem>>, vector<256x2048xf32>
    tpu.vector_store %arg5[%swap3A, %swap3A_11], %add3A_10 {strides = array<i32>} : memref<256x2048xf32, #tpu.memory_space<vmem>>, vector<256x2048xf32>,
    %slice3A = vector.extract_strided_slice %add3A_10 {offsets = [0, 0], sizes = [256, 128], strides = [1, 1]} : vector<256x2048xf32> to vector<256x128xf32>
    %reduce_max3A = arith.constant dense<0xFF800000> : vector<256xf32>
    %reduce_max3A_13 = vector.multi_reduction <maximumf>, %slice3A, %reduce_max3A [1] : vector<256x128xf32> to vector<256xf32>
    %broadcast_in_dim3A = vector.shape_cast %reduce_max3A_13 : vector<256xf32> to vector<256x1xf32>
    %slice3A_14 = vector.extract_strided_slice %add3A_10 {offsets = [0, 128], sizes = [256, 128], strides = [1, 1]} : vector<256x2048xf32> to vector<256x128xf32>
    %reduce_max3A_15 = arith.constant dense<0xFF800000> : vector<256xf32>
    %reduce_max3A_16 = vector.multi_reduction <maximumf>, %slice3A_14, %reduce_max3A_15 [1] : vector<256x128xf32> to vector<256xf32>
    %broadcast_in_dim3A_17 = vector.shape_cast %reduce_max3A_16 : vector<256xf32> to vector<256x1xf32>
    %slice3A_18 = vector.extract_strided_slice %add3A_10 {offsets = [0, 256], sizes = [256, 128], strides = [1, 1]} : vector<256x2048xf32> to vector<256x128xf32>
    %reduce_max3A_19 = arith.constant dense<0xFF800000> : vector<256xf32>
    %reduce_max3A_20 = vector.multi_reduction <maximumf>, %slice3A_18, %reduce_max3A_19 [1] : vector<256x128xf32> to vector<256xf32>
    %broadcast_in_dim3A_21 = vector.shape_cast %reduce_max3A_20 : vector<256xf32> to vector<256x1xf32>
    %slice3A_22 = vector.extract_strided_slice %add3A_10 {offsets = [0, 384], sizes = [256, 128], strides = [1, 1]} : vector<256x2048xf32> to vector<256x128xf32>
    %reduce_max3A_23 = arith.constant dense<0xFF800000> : vector<256xf32>
    %reduce_max3A_24 = vector.multi_reduction <maximumf>, %slice3A_22, %reduce_max3A_23 [1] : vector<256x128xf32> to vector<256xf32>
    %broadcast_in_dim3A_25 = vector.shape_cast %reduce_max3A_24 : vector<256xf32> to vector<256x1xf32>
    %slice3A_26 = vector.extract_strided_slice %add3A_10 {offsets = [0, 512], sizes = [256, 128], strides = [1, 1]} : vector<256x2048xf32> to vector<256x128xf32>
    %reduce_max3A_27 = arith.constant dense<0xFF800000> : vector<256xf32>
    %reduce_max3A_28 = vector.multi_reduction <maximumf>, %slice3A_26, %reduce_max3A_27 [1] : vector<256x128xf32> to vector<256xf32>
    %broadcast_in_dim3A_29 = vector.shape_cast %reduce_max3A_28 : vector<256xf32> to vector<256x1xf32>
    %slice3A_30 = vector.extract_strided_slice %add3A_10 {offsets = [0, 640], sizes = [256, 128], strides = [1, 1]} : vector<256x2048xf32> to vector<256x128xf32>
    %reduce_max3A_31 = arith.constant dense<0xFF800000> : vector<256xf32>
    %reduce_max3A_32 = vector.multi_reduction <maximumf>, %slice3A_30, %reduce_max3A_31 [1] : vector<256x128xf32> to vector<256xf32>
    %broadcast_in_dim3A_33 = vector.shape_cast %reduce_max3A_32 : vector<256xf32> to vector<256x1xf32>
    %slice3A_34 = vector.extract_strided_slice %add3A_10 {offsets = [0, 768], sizes = [256, 128], strides = [1, 1]} : vector<256x2048xf32> to vector<256x128xf32>
    %reduce_max3A_35 = arith.constant dense<0xFF800000> : vector<256xf32>
    %reduce_max3A_36 = vector.multi_reduction <maximumf>, %slice3A_34, %reduce_max3A_35 [1] : vector<256x128xf32> to vector<256xf32>
    %broadcast_in_dim3A_37 = vector.shape_cast %reduce_max3A_36 : vector<256xf32> to vector<256x1xf32>
    %slice3A_38 = vector.extract_strided_slice %add3A_10 {offsets = [0, 896], sizes = [256, 128], strides = [1, 1]} : vector<256x2048xf32> to vector<256x128xf32>
    %reduce_max3A_39 = arith.constant dense<0xFF800000> : vector<256xf32>
    %reduce_max3A_40 = vector.multi_reduction <maximumf>, %slice3A_38, %reduce_max3A_39 [1] : vector<256x128xf32> to vector<256xf32>
    %broadcast_in_dim3A_41 = vector.shape_cast %reduce_max3A_40 : vector<256xf32> to vector<256x1xf32>
    %slice3A_42 = vector.extract_strided_slice %add3A_10 {offsets = [0, 1024], sizes = [256, 128], strides = [1, 1]} : vector<256x2048xf32> to vector<256x128xf32>
    %reduce_max3A_43 = arith.constant dense<0xFF800000> : vector<256xf32>
    %reduce_max3A_44 = vector.multi_reduction <maximumf>, %slice3A_42, %reduce_max3A_43 [1] : vector<256x128xf32> to vector<256xf32>
    %broadcast_in_dim3A_45 = vector.shape_cast %reduce_max3A_44 : vector<256xf32> to vector<256x1xf32>
    %slice3A_46 = vector.extract_strided_slice %add3A_10 {offsets = [0, 1152], sizes = [256, 128], strides = [1, 1]} : vector<256x2048xf32> to vector<256x128xf32>
    %reduce_max3A_47 = arith.constant dense<0xFF800000> : vector<256xf32>
    %reduce_max3A_48 = vector.multi_reduction <maximumf>, %slice3A_46, %reduce_max3A_47 [1] : vector<256x128xf32> to vector<256xf32>
    %broadcast_in_dim3A_49 = vector.shape_cast %reduce_max3A_48 : vector<256xf32> to vector<256x1xf32>
    %slice3A_50 = vector.extract_strided_slice %add3A_10 {offsets = [0, 1280], sizes = [256, 128], strides = [1, 1]} : vector<256x2048xf32> to vector<256x128xf32>
    %reduce_max3A_51 = arith.constant dense<0xFF800000> : vector<256xf32>
    %reduce_max3A_52 = vector.multi_reduction <maximumf>, %slice3A_50, %reduce_max3A_51 [1] : vector<256x128xf32> to vector<256xf32>
    %broadcast_in_dim3A_53 = vector.shape_cast %reduce_max3A_52 : vector<256xf32> to vector<256x1xf32>
    %slice3A_54 = vector.extract_strided_slice %add3A_10 {offsets = [0, 1408], sizes = [256, 128], strides = [1, 1]} : vector<256x2048xf32> to vector<256x128xf32>
    %reduce_max3A_55 = arith.constant dense<0xFF800000> : vector<256xf32>
    %reduce_max3A_56 = vector.multi_reduction <maximumf>, %slice3A_54, %reduce_max3A_55 [1] : vector<256x128xf32> to vector<256xf32>
    %broadcast_in_dim3A_57 = vector.shape_cast %reduce_max3A_56 : vector<256xf32> to vector<256x1xf32>
    %slice3A_58 = vector.extract_strided_slice %add3A_10 {offsets = [0, 1536], sizes = [256, 128], strides = [1, 1]} : vector<256x2048xf32> to vector<256x128xf32>
    %reduce_max3A_59 = arith.constant dense<0xFF800000> : vector<256xf32>
    %reduce_max3A_60 = vector.multi_reduction <maximumf>, %slice3A_58, %reduce_max3A_59 [1] : vector<256x128xf32> to vector<256xf32>
    %broadcast_in_dim3A_61 = vector.shape_cast %reduce_max3A_60 : vector<256xf32> to vector<256x1xf32>
    %slice3A_62 = vector.extract_strided_slice %add3A_10 {offsets = [0, 1664], sizes = [256, 128], strides = [1, 1]} : vector<256x2048xf32> to vector<256x128xf32>
    %reduce_max3A_63 = arith.constant dense<0xFF800000> : vector<256xf32>
    %reduce_max3A_64 = vector.multi_reduction <maximumf>, %slice3A_62, %reduce_max3A_63 [1] : vector<256x128xf32> to vector<256xf32>
    %broadcast_in_dim3A_65 = vector.shape_cast %reduce_max3A_64 : vector<256xf32> to vector<256x1xf32>
    %slice3A_66 = vector.extract_strided_slice %add3A_10 {offsets = [0, 1792], sizes = [256, 128], strides = [1, 1]} : vector<256x2048xf32> to vector<256x128xf32>
    %reduce_max3A_67 = arith.constant dense<0xFF800000> : vector<256xf32>
    %reduce_max3A_68 = vector.multi_reduction <maximumf>, %slice3A_66, %reduce_max3A_67 [1] : vector<256x128xf32> to vector<256xf32>
    %broadcast_in_dim3A_69 = vector.shape_cast %reduce_max3A_68 : vector<256xf32> to vector<256x1xf32>
    %slice3A_70 = vector.extract_strided_slice %add3A_10 {offsets = [0, 1920], sizes = [256, 128], strides = [1, 1]} : vector<256x2048xf32> to vector<256x128xf32>
    %reduce_max3A_71 = arith.constant dense<0xFF800000> : vector<256xf32>
    %reduce_max3A_72 = vector.multi_reduction <maximumf>, %slice3A_70, %reduce_max3A_71 [1] : vector<256x128xf32> to vector<256xf32>
    %broadcast_in_dim3A_73 = vector.shape_cast %reduce_max3A_72 : vector<256xf32> to vector<256x1xf32>
    %concatenate3A = tpu.concatenate %broadcast_in_dim3A, %broadcast_in_dim3A_17, %broadcast_in_dim3A_21, %broadcast_in_dim3A_25, %broadcast_in_dim3A_29, %broadcast_in_dim3A_33, %broadcast_in_dim3A_37, %broadcast_in_dim3A_41, %broadcast_in_dim3A_45, %broadcast_in_dim3A_49, %broadcast_in_dim3A_53, %broadcast_in_dim3A_57, %broadcast_in_dim3A_61, %broadcast_in_dim3A_65, %broadcast_in_dim3A_69, %broadcast_in_dim3A_73 in 1 : vector<256x1xf32>, vector<256x1xf32>, vector<256x1xf32>, vector<256x1xf32>, vector<256x1xf32>, vector<256x1xf32>, vector<256x1xf32>, vector<256x1xf32>, vector<256x1xf32>, vector<256x1xf32>, vector<256x1xf32>, vector<256x1xf32>, vector<256x1xf32>, vector<256x1xf32>, vector<256x1xf32>, vector<256x1xf32> -> vector<256x16xf32>
    %broadcast_in_dim3A_74 = vector.shape_cast %concatenate3A : vector<256x16xf32> to vector<1x256x16xf32>
    %swap3A_75 = arith.constant 0 : index
    %swap3A_76 = arith.constant 0 : index
    %swap3A_77 = arith.constant 0 : index
    %swap3A_78 = vector.load %arg6[%swap3A_75, %swap3A_76, %swap3A_77] : memref<1x256x16xf32, #tpu.memory_space<vmem>>, vector<1x256x16xf32>
    tpu.vector_store %arg6[%swap3A_75, %swap3A_76, %swap3A_77], %broadcast_in_dim3A_74 {strides = array<i32>} : memref<1x256x16xf32, #tpu.memory_space<vmem>>, vector<1x256x16xf32>,
    return
  }
  func.func @transform_0(%arg0: i32, %arg1: i32) -> (i32, i32) {
    %c0_i32 = arith.constant 0 : i32
    %c0_i32_0 = arith.constant 0 : i32
    return %arg0, %c0_i32 : i32, i32
  }
  func.func @transform_1(%arg0: i32, %arg1: i32) -> (i32, i32) {
    %c0_i32 = arith.constant 0 : i32
    %c0_i32_0 = arith.constant 0 : i32
    return %c0_i32, %arg1 : i32, i32
  }
  func.func @transform_2(%arg0: i32, %arg1: i32) -> (i32, i32) {
    %c0_i32 = arith.constant 0 : i32
    %c0_i32_0 = arith.constant 0 : i32
    return %c0_i32, %arg1 : i32, i32
  }
  func.func @transform_3(%arg0: i32, %arg1: i32) -> (i32, i32) {
    %c0_i32 = arith.constant 0 : i32
    return %arg0, %arg1 : i32, i32
  }
  func.func @transform_4(%arg0: i32, %arg1: i32) -> (i32, i32, i32) {
    %c0_i32 = arith.constant 0 : i32
    %c0_i32_0 = arith.constant 0 : i32
    return %arg1, %arg0, %c0_i32 : i32, i32, i32
  }
}

module attributes {stable_mosaic.version = 14 : i64} {
  func.func @_sel_body(%arg0: i32, %arg1: memref<512x96xf32, #tpu.memory_space<vmem>>, %arg2: memref<512x40xi32, #tpu.memory_space<vmem>>, %arg3: memref<512x1xf32, #tpu.memory_space<vmem>>) attributes {dimension_semantics = [#tpu.dimension_semantics<parallel>], iteration_bounds = array<i64: 16>, scalar_prefetch = 0 : i64, scratch_operands = 0 : i64, tpu.core_type = #tpu.core_type<tc>, window_params = [{transform_indices = @transform_0, window_bounds = array<i64: 512, 96>}, {transform_indices = @transform_1, window_bounds = array<i64: 512, 40>}, {transform_indices = @transform_2, window_bounds = array<i64: 512, 1>}]} {
    %get3A = arith.constant 0 : index
    %get3A_0 = arith.constant 0 : index
    %get3A_1 = vector.load %arg1[%get3A, %get3A_0] : memref<512x96xf32, #tpu.memory_space<vmem>>, vector<512x96xf32>
    %iota3A = tpu.iota {dimensions = array<i32: 1>} : vector<512x96xi32>
    %mul3A = arith.constant 512 : i32
    %mul3A_2 = arith.muli %arg0, %mul3A : i32
    %iota3A_3 = tpu.iota {dimensions = array<i32: 0>} : vector<512x1xi32>
    %add3A = vector.broadcast %mul3A_2 : i32 to vector<512x1xi32>
    %add3A_4 = arith.addi %add3A, %iota3A_3 : vector<512x1xi32>
    %mul3A_5 = arith.constant 96 : i32
    %mul3A_6 = vector.broadcast %mul3A_5 : i32 to vector<512x1xi32>
    %mul3A_7 = arith.muli %add3A_4, %mul3A_6 : vector<512x1xi32>
    %reduce_max3A = arith.constant dense<0xFF800000> : vector<512xf32>
    %reduce_max3A_8 = vector.multi_reduction <maximumf>, %get3A_1, %reduce_max3A [1] : vector<512x96xf32> to vector<512xf32>
    %broadcast_in_dim3A = vector.shape_cast %reduce_max3A_8 : vector<512xf32> to vector<512x1xf32>
    %ge3A = vector.broadcast %broadcast_in_dim3A : vector<512x1xf32> to vector<512x96xf32>
    %ge3A_9 = arith.cmpf oge, %get3A_1, %ge3A : vector<512x96xf32>
    %jit3A = arith.constant 1073741824 : i32
    %broadcast_in_dim3A_10 = vector.broadcast %jit3A : i32 to vector<512x96xi32>
    %select_n3A = arith.select %ge3A_9, %iota3A, %broadcast_in_dim3A_10 : vector<512x96xi1>, vector<512x96xi32>
    %reduce_min3A = arith.constant dense<2147483647> : vector<512xi32>
    %reduce_min3A_11 = vector.multi_reduction <minsi>, %select_n3A, %reduce_min3A [1] : vector<512x96xi32> to vector<512xi32>
    %broadcast_in_dim3A_12 = vector.shape_cast %reduce_min3A_11 : vector<512xi32> to vector<512x1xi32>
    %add3A_13 = arith.addi %mul3A_7, %broadcast_in_dim3A_12 : vector<512x1xi32>
    %swap3A = arith.constant 0 : index
    %swap3A_14 = arith.constant 0 : index
    %swap3A_15 = vector.load %arg2[%swap3A, %swap3A_14] : memref<512x40xi32, #tpu.memory_space<vmem>>, vector<512x1xi32>
    tpu.vector_store %arg2[%swap3A, %swap3A_14], %add3A_13 {strides = array<i32>} : memref<512x40xi32, #tpu.memory_space<vmem>>, vector<512x1xi32>,
    %eq3A = vector.broadcast %broadcast_in_dim3A_12 : vector<512x1xi32> to vector<512x96xi32>
    %eq3A_16 = arith.cmpi eq, %iota3A, %eq3A : vector<512x96xi32>
    %jit3A_17 = arith.constant 0xFF800000 : f32
    %broadcast_in_dim3A_18 = vector.broadcast %jit3A_17 : f32 to vector<512x96xf32>
    %select_n3A_19 = arith.select %eq3A_16, %broadcast_in_dim3A_18, %get3A_1 : vector<512x96xi1>, vector<512x96xf32>
    %reduce_max3A_20 = arith.constant dense<0xFF800000> : vector<512xf32>
    %reduce_max3A_21 = vector.multi_reduction <maximumf>, %select_n3A_19, %reduce_max3A_20 [1] : vector<512x96xf32> to vector<512xf32>
    %broadcast_in_dim3A_22 = vector.shape_cast %reduce_max3A_21 : vector<512xf32> to vector<512x1xf32>
    %ge3A_23 = vector.broadcast %broadcast_in_dim3A_22 : vector<512x1xf32> to vector<512x96xf32>
    %ge3A_24 = arith.cmpf oge, %select_n3A_19, %ge3A_23 : vector<512x96xf32>
    %jit3A_25 = arith.constant 1073741824 : i32
    %broadcast_in_dim3A_26 = vector.broadcast %jit3A_25 : i32 to vector<512x96xi32>
    %select_n3A_27 = arith.select %ge3A_24, %iota3A, %broadcast_in_dim3A_26 : vector<512x96xi1>, vector<512x96xi32>
    %reduce_min3A_28 = arith.constant dense<2147483647> : vector<512xi32>
    %reduce_min3A_29 = vector.multi_reduction <minsi>, %select_n3A_27, %reduce_min3A_28 [1] : vector<512x96xi32> to vector<512xi32>
    %broadcast_in_dim3A_30 = vector.shape_cast %reduce_min3A_29 : vector<512xi32> to vector<512x1xi32>
    %add3A_31 = arith.addi %mul3A_7, %broadcast_in_dim3A_30 : vector<512x1xi32>
    %swap3A_32 = arith.constant 0 : index
    %swap3A_33 = arith.constant 1 : index
    %swap3A_34 = vector.load %arg2[%swap3A_32, %swap3A_33] : memref<512x40xi32, #tpu.memory_space<vmem>>, vector<512x1xi32>
    tpu.vector_store %arg2[%swap3A_32, %swap3A_33], %add3A_31 {strides = array<i32>} : memref<512x40xi32, #tpu.memory_space<vmem>>, vector<512x1xi32>,
    %eq3A_35 = vector.broadcast %broadcast_in_dim3A_30 : vector<512x1xi32> to vector<512x96xi32>
    %eq3A_36 = arith.cmpi eq, %iota3A, %eq3A_35 : vector<512x96xi32>
    %jit3A_37 = arith.constant 0xFF800000 : f32
    %broadcast_in_dim3A_38 = vector.broadcast %jit3A_37 : f32 to vector<512x96xf32>
    %select_n3A_39 = arith.select %eq3A_36, %broadcast_in_dim3A_38, %select_n3A_19 : vector<512x96xi1>, vector<512x96xf32>
    %reduce_max3A_40 = arith.constant dense<0xFF800000> : vector<512xf32>
    %reduce_max3A_41 = vector.multi_reduction <maximumf>, %select_n3A_39, %reduce_max3A_40 [1] : vector<512x96xf32> to vector<512xf32>
    %broadcast_in_dim3A_42 = vector.shape_cast %reduce_max3A_41 : vector<512xf32> to vector<512x1xf32>
    %ge3A_43 = vector.broadcast %broadcast_in_dim3A_42 : vector<512x1xf32> to vector<512x96xf32>
    %ge3A_44 = arith.cmpf oge, %select_n3A_39, %ge3A_43 : vector<512x96xf32>
    %jit3A_45 = arith.constant 1073741824 : i32
    %broadcast_in_dim3A_46 = vector.broadcast %jit3A_45 : i32 to vector<512x96xi32>
    %select_n3A_47 = arith.select %ge3A_44, %iota3A, %broadcast_in_dim3A_46 : vector<512x96xi1>, vector<512x96xi32>
    %reduce_min3A_48 = arith.constant dense<2147483647> : vector<512xi32>
    %reduce_min3A_49 = vector.multi_reduction <minsi>, %select_n3A_47, %reduce_min3A_48 [1] : vector<512x96xi32> to vector<512xi32>
    %broadcast_in_dim3A_50 = vector.shape_cast %reduce_min3A_49 : vector<512xi32> to vector<512x1xi32>
    %add3A_51 = arith.addi %mul3A_7, %broadcast_in_dim3A_50 : vector<512x1xi32>
    %swap3A_52 = arith.constant 0 : index
    %swap3A_53 = arith.constant 2 : index
    %swap3A_54 = vector.load %arg2[%swap3A_52, %swap3A_53] : memref<512x40xi32, #tpu.memory_space<vmem>>, vector<512x1xi32>
    tpu.vector_store %arg2[%swap3A_52, %swap3A_53], %add3A_51 {strides = array<i32>} : memref<512x40xi32, #tpu.memory_space<vmem>>, vector<512x1xi32>,
    %eq3A_55 = vector.broadcast %broadcast_in_dim3A_50 : vector<512x1xi32> to vector<512x96xi32>
    %eq3A_56 = arith.cmpi eq, %iota3A, %eq3A_55 : vector<512x96xi32>
    %jit3A_57 = arith.constant 0xFF800000 : f32
    %broadcast_in_dim3A_58 = vector.broadcast %jit3A_57 : f32 to vector<512x96xf32>
    %select_n3A_59 = arith.select %eq3A_56, %broadcast_in_dim3A_58, %select_n3A_39 : vector<512x96xi1>, vector<512x96xf32>
    %reduce_max3A_60 = arith.constant dense<0xFF800000> : vector<512xf32>
    %reduce_max3A_61 = vector.multi_reduction <maximumf>, %select_n3A_59, %reduce_max3A_60 [1] : vector<512x96xf32> to vector<512xf32>
    %broadcast_in_dim3A_62 = vector.shape_cast %reduce_max3A_61 : vector<512xf32> to vector<512x1xf32>
    %ge3A_63 = vector.broadcast %broadcast_in_dim3A_62 : vector<512x1xf32> to vector<512x96xf32>
    %ge3A_64 = arith.cmpf oge, %select_n3A_59, %ge3A_63 : vector<512x96xf32>
    %jit3A_65 = arith.constant 1073741824 : i32
    %broadcast_in_dim3A_66 = vector.broadcast %jit3A_65 : i32 to vector<512x96xi32>
    %select_n3A_67 = arith.select %ge3A_64, %iota3A, %broadcast_in_dim3A_66 : vector<512x96xi1>, vector<512x96xi32>
    %reduce_min3A_68 = arith.constant dense<2147483647> : vector<512xi32>
    %reduce_min3A_69 = vector.multi_reduction <minsi>, %select_n3A_67, %reduce_min3A_68 [1] : vector<512x96xi32> to vector<512xi32>
    %broadcast_in_dim3A_70 = vector.shape_cast %reduce_min3A_69 : vector<512xi32> to vector<512x1xi32>
    %add3A_71 = arith.addi %mul3A_7, %broadcast_in_dim3A_70 : vector<512x1xi32>
    %swap3A_72 = arith.constant 0 : index
    %swap3A_73 = arith.constant 3 : index
    %swap3A_74 = vector.load %arg2[%swap3A_72, %swap3A_73] : memref<512x40xi32, #tpu.memory_space<vmem>>, vector<512x1xi32>
    tpu.vector_store %arg2[%swap3A_72, %swap3A_73], %add3A_71 {strides = array<i32>} : memref<512x40xi32, #tpu.memory_space<vmem>>, vector<512x1xi32>,
    %eq3A_75 = vector.broadcast %broadcast_in_dim3A_70 : vector<512x1xi32> to vector<512x96xi32>
    %eq3A_76 = arith.cmpi eq, %iota3A, %eq3A_75 : vector<512x96xi32>
    %jit3A_77 = arith.constant 0xFF800000 : f32
    %broadcast_in_dim3A_78 = vector.broadcast %jit3A_77 : f32 to vector<512x96xf32>
    %select_n3A_79 = arith.select %eq3A_76, %broadcast_in_dim3A_78, %select_n3A_59 : vector<512x96xi1>, vector<512x96xf32>
    %reduce_max3A_80 = arith.constant dense<0xFF800000> : vector<512xf32>
    %reduce_max3A_81 = vector.multi_reduction <maximumf>, %select_n3A_79, %reduce_max3A_80 [1] : vector<512x96xf32> to vector<512xf32>
    %broadcast_in_dim3A_82 = vector.shape_cast %reduce_max3A_81 : vector<512xf32> to vector<512x1xf32>
    %ge3A_83 = vector.broadcast %broadcast_in_dim3A_82 : vector<512x1xf32> to vector<512x96xf32>
    %ge3A_84 = arith.cmpf oge, %select_n3A_79, %ge3A_83 : vector<512x96xf32>
    %jit3A_85 = arith.constant 1073741824 : i32
    %broadcast_in_dim3A_86 = vector.broadcast %jit3A_85 : i32 to vector<512x96xi32>
    %select_n3A_87 = arith.select %ge3A_84, %iota3A, %broadcast_in_dim3A_86 : vector<512x96xi1>, vector<512x96xi32>
    %reduce_min3A_88 = arith.constant dense<2147483647> : vector<512xi32>
    %reduce_min3A_89 = vector.multi_reduction <minsi>, %select_n3A_87, %reduce_min3A_88 [1] : vector<512x96xi32> to vector<512xi32>
    %broadcast_in_dim3A_90 = vector.shape_cast %reduce_min3A_89 : vector<512xi32> to vector<512x1xi32>
    %add3A_91 = arith.addi %mul3A_7, %broadcast_in_dim3A_90 : vector<512x1xi32>
    %swap3A_92 = arith.constant 0 : index
    %swap3A_93 = arith.constant 4 : index
    %swap3A_94 = vector.load %arg2[%swap3A_92, %swap3A_93] : memref<512x40xi32, #tpu.memory_space<vmem>>, vector<512x1xi32>
    tpu.vector_store %arg2[%swap3A_92, %swap3A_93], %add3A_91 {strides = array<i32>} : memref<512x40xi32, #tpu.memory_space<vmem>>, vector<512x1xi32>,
    %eq3A_95 = vector.broadcast %broadcast_in_dim3A_90 : vector<512x1xi32> to vector<512x96xi32>
    %eq3A_96 = arith.cmpi eq, %iota3A, %eq3A_95 : vector<512x96xi32>
    %jit3A_97 = arith.constant 0xFF800000 : f32
    %broadcast_in_dim3A_98 = vector.broadcast %jit3A_97 : f32 to vector<512x96xf32>
    %select_n3A_99 = arith.select %eq3A_96, %broadcast_in_dim3A_98, %select_n3A_79 : vector<512x96xi1>, vector<512x96xf32>
    %reduce_max3A_100 = arith.constant dense<0xFF800000> : vector<512xf32>
    %reduce_max3A_101 = vector.multi_reduction <maximumf>, %select_n3A_99, %reduce_max3A_100 [1] : vector<512x96xf32> to vector<512xf32>
    %broadcast_in_dim3A_102 = vector.shape_cast %reduce_max3A_101 : vector<512xf32> to vector<512x1xf32>
    %ge3A_103 = vector.broadcast %broadcast_in_dim3A_102 : vector<512x1xf32> to vector<512x96xf32>
    %ge3A_104 = arith.cmpf oge, %select_n3A_99, %ge3A_103 : vector<512x96xf32>
    %jit3A_105 = arith.constant 1073741824 : i32
    %broadcast_in_dim3A_106 = vector.broadcast %jit3A_105 : i32 to vector<512x96xi32>
    %select_n3A_107 = arith.select %ge3A_104, %iota3A, %broadcast_in_dim3A_106 : vector<512x96xi1>, vector<512x96xi32>
    %reduce_min3A_108 = arith.constant dense<2147483647> : vector<512xi32>
    %reduce_min3A_109 = vector.multi_reduction <minsi>, %select_n3A_107, %reduce_min3A_108 [1] : vector<512x96xi32> to vector<512xi32>
    %broadcast_in_dim3A_110 = vector.shape_cast %reduce_min3A_109 : vector<512xi32> to vector<512x1xi32>
    %add3A_111 = arith.addi %mul3A_7, %broadcast_in_dim3A_110 : vector<512x1xi32>
    %swap3A_112 = arith.constant 0 : index
    %swap3A_113 = arith.constant 5 : index
    %swap3A_114 = vector.load %arg2[%swap3A_112, %swap3A_113] : memref<512x40xi32, #tpu.memory_space<vmem>>, vector<512x1xi32>
    tpu.vector_store %arg2[%swap3A_112, %swap3A_113], %add3A_111 {strides = array<i32>} : memref<512x40xi32, #tpu.memory_space<vmem>>, vector<512x1xi32>,
    %eq3A_115 = vector.broadcast %broadcast_in_dim3A_110 : vector<512x1xi32> to vector<512x96xi32>
    %eq3A_116 = arith.cmpi eq, %iota3A, %eq3A_115 : vector<512x96xi32>
    %jit3A_117 = arith.constant 0xFF800000 : f32
    %broadcast_in_dim3A_118 = vector.broadcast %jit3A_117 : f32 to vector<512x96xf32>
    %select_n3A_119 = arith.select %eq3A_116, %broadcast_in_dim3A_118, %select_n3A_99 : vector<512x96xi1>, vector<512x96xf32>
    %reduce_max3A_120 = arith.constant dense<0xFF800000> : vector<512xf32>
    %reduce_max3A_121 = vector.multi_reduction <maximumf>, %select_n3A_119, %reduce_max3A_120 [1] : vector<512x96xf32> to vector<512xf32>
    %broadcast_in_dim3A_122 = vector.shape_cast %reduce_max3A_121 : vector<512xf32> to vector<512x1xf32>
    %ge3A_123 = vector.broadcast %broadcast_in_dim3A_122 : vector<512x1xf32> to vector<512x96xf32>
    %ge3A_124 = arith.cmpf oge, %select_n3A_119, %ge3A_123 : vector<512x96xf32>
    %jit3A_125 = arith.constant 1073741824 : i32
    %broadcast_in_dim3A_126 = vector.broadcast %jit3A_125 : i32 to vector<512x96xi32>
    %select_n3A_127 = arith.select %ge3A_124, %iota3A, %broadcast_in_dim3A_126 : vector<512x96xi1>, vector<512x96xi32>
    %reduce_min3A_128 = arith.constant dense<2147483647> : vector<512xi32>
    %reduce_min3A_129 = vector.multi_reduction <minsi>, %select_n3A_127, %reduce_min3A_128 [1] : vector<512x96xi32> to vector<512xi32>
    %broadcast_in_dim3A_130 = vector.shape_cast %reduce_min3A_129 : vector<512xi32> to vector<512x1xi32>
    %add3A_131 = arith.addi %mul3A_7, %broadcast_in_dim3A_130 : vector<512x1xi32>
    %swap3A_132 = arith.constant 0 : index
    %swap3A_133 = arith.constant 6 : index
    %swap3A_134 = vector.load %arg2[%swap3A_132, %swap3A_133] : memref<512x40xi32, #tpu.memory_space<vmem>>, vector<512x1xi32>
    tpu.vector_store %arg2[%swap3A_132, %swap3A_133], %add3A_131 {strides = array<i32>} : memref<512x40xi32, #tpu.memory_space<vmem>>, vector<512x1xi32>,
    %eq3A_135 = vector.broadcast %broadcast_in_dim3A_130 : vector<512x1xi32> to vector<512x96xi32>
    %eq3A_136 = arith.cmpi eq, %iota3A, %eq3A_135 : vector<512x96xi32>
    %jit3A_137 = arith.constant 0xFF800000 : f32
    %broadcast_in_dim3A_138 = vector.broadcast %jit3A_137 : f32 to vector<512x96xf32>
    %select_n3A_139 = arith.select %eq3A_136, %broadcast_in_dim3A_138, %select_n3A_119 : vector<512x96xi1>, vector<512x96xf32>
    %reduce_max3A_140 = arith.constant dense<0xFF800000> : vector<512xf32>
    %reduce_max3A_141 = vector.multi_reduction <maximumf>, %select_n3A_139, %reduce_max3A_140 [1] : vector<512x96xf32> to vector<512xf32>
    %broadcast_in_dim3A_142 = vector.shape_cast %reduce_max3A_141 : vector<512xf32> to vector<512x1xf32>
    %ge3A_143 = vector.broadcast %broadcast_in_dim3A_142 : vector<512x1xf32> to vector<512x96xf32>
    %ge3A_144 = arith.cmpf oge, %select_n3A_139, %ge3A_143 : vector<512x96xf32>
    %jit3A_145 = arith.constant 1073741824 : i32
    %broadcast_in_dim3A_146 = vector.broadcast %jit3A_145 : i32 to vector<512x96xi32>
    %select_n3A_147 = arith.select %ge3A_144, %iota3A, %broadcast_in_dim3A_146 : vector<512x96xi1>, vector<512x96xi32>
    %reduce_min3A_148 = arith.constant dense<2147483647> : vector<512xi32>
    %reduce_min3A_149 = vector.multi_reduction <minsi>, %select_n3A_147, %reduce_min3A_148 [1] : vector<512x96xi32> to vector<512xi32>
    %broadcast_in_dim3A_150 = vector.shape_cast %reduce_min3A_149 : vector<512xi32> to vector<512x1xi32>
    %add3A_151 = arith.addi %mul3A_7, %broadcast_in_dim3A_150 : vector<512x1xi32>
    %swap3A_152 = arith.constant 0 : index
    %swap3A_153 = arith.constant 7 : index
    %swap3A_154 = vector.load %arg2[%swap3A_152, %swap3A_153] : memref<512x40xi32, #tpu.memory_space<vmem>>, vector<512x1xi32>
    tpu.vector_store %arg2[%swap3A_152, %swap3A_153], %add3A_151 {strides = array<i32>} : memref<512x40xi32, #tpu.memory_space<vmem>>, vector<512x1xi32>,
    %eq3A_155 = vector.broadcast %broadcast_in_dim3A_150 : vector<512x1xi32> to vector<512x96xi32>
    %eq3A_156 = arith.cmpi eq, %iota3A, %eq3A_155 : vector<512x96xi32>
    %jit3A_157 = arith.constant 0xFF800000 : f32
    %broadcast_in_dim3A_158 = vector.broadcast %jit3A_157 : f32 to vector<512x96xf32>
    %select_n3A_159 = arith.select %eq3A_156, %broadcast_in_dim3A_158, %select_n3A_139 : vector<512x96xi1>, vector<512x96xf32>
    %reduce_max3A_160 = arith.constant dense<0xFF800000> : vector<512xf32>
    %reduce_max3A_161 = vector.multi_reduction <maximumf>, %select_n3A_159, %reduce_max3A_160 [1] : vector<512x96xf32> to vector<512xf32>
    %broadcast_in_dim3A_162 = vector.shape_cast %reduce_max3A_161 : vector<512xf32> to vector<512x1xf32>
    %ge3A_163 = vector.broadcast %broadcast_in_dim3A_162 : vector<512x1xf32> to vector<512x96xf32>
    %ge3A_164 = arith.cmpf oge, %select_n3A_159, %ge3A_163 : vector<512x96xf32>
    %jit3A_165 = arith.constant 1073741824 : i32
    %broadcast_in_dim3A_166 = vector.broadcast %jit3A_165 : i32 to vector<512x96xi32>
    %select_n3A_167 = arith.select %ge3A_164, %iota3A, %broadcast_in_dim3A_166 : vector<512x96xi1>, vector<512x96xi32>
    %reduce_min3A_168 = arith.constant dense<2147483647> : vector<512xi32>
    %reduce_min3A_169 = vector.multi_reduction <minsi>, %select_n3A_167, %reduce_min3A_168 [1] : vector<512x96xi32> to vector<512xi32>
    %broadcast_in_dim3A_170 = vector.shape_cast %reduce_min3A_169 : vector<512xi32> to vector<512x1xi32>
    %add3A_171 = arith.addi %mul3A_7, %broadcast_in_dim3A_170 : vector<512x1xi32>
    %swap3A_172 = arith.constant 0 : index
    %swap3A_173 = arith.constant 8 : index
    %swap3A_174 = vector.load %arg2[%swap3A_172, %swap3A_173] : memref<512x40xi32, #tpu.memory_space<vmem>>, vector<512x1xi32>
    tpu.vector_store %arg2[%swap3A_172, %swap3A_173], %add3A_171 {strides = array<i32>} : memref<512x40xi32, #tpu.memory_space<vmem>>, vector<512x1xi32>,
    %eq3A_175 = vector.broadcast %broadcast_in_dim3A_170 : vector<512x1xi32> to vector<512x96xi32>
    %eq3A_176 = arith.cmpi eq, %iota3A, %eq3A_175 : vector<512x96xi32>
    %jit3A_177 = arith.constant 0xFF800000 : f32
    %broadcast_in_dim3A_178 = vector.broadcast %jit3A_177 : f32 to vector<512x96xf32>
    %select_n3A_179 = arith.select %eq3A_176, %broadcast_in_dim3A_178, %select_n3A_159 : vector<512x96xi1>, vector<512x96xf32>
    %reduce_max3A_180 = arith.constant dense<0xFF800000> : vector<512xf32>
    %reduce_max3A_181 = vector.multi_reduction <maximumf>, %select_n3A_179, %reduce_max3A_180 [1] : vector<512x96xf32> to vector<512xf32>
    %broadcast_in_dim3A_182 = vector.shape_cast %reduce_max3A_181 : vector<512xf32> to vector<512x1xf32>
    %ge3A_183 = vector.broadcast %broadcast_in_dim3A_182 : vector<512x1xf32> to vector<512x96xf32>
    %ge3A_184 = arith.cmpf oge, %select_n3A_179, %ge3A_183 : vector<512x96xf32>
    %jit3A_185 = arith.constant 1073741824 : i32
    %broadcast_in_dim3A_186 = vector.broadcast %jit3A_185 : i32 to vector<512x96xi32>
    %select_n3A_187 = arith.select %ge3A_184, %iota3A, %broadcast_in_dim3A_186 : vector<512x96xi1>, vector<512x96xi32>
    %reduce_min3A_188 = arith.constant dense<2147483647> : vector<512xi32>
    %reduce_min3A_189 = vector.multi_reduction <minsi>, %select_n3A_187, %reduce_min3A_188 [1] : vector<512x96xi32> to vector<512xi32>
    %broadcast_in_dim3A_190 = vector.shape_cast %reduce_min3A_189 : vector<512xi32> to vector<512x1xi32>
    %add3A_191 = arith.addi %mul3A_7, %broadcast_in_dim3A_190 : vector<512x1xi32>
    %swap3A_192 = arith.constant 0 : index
    %swap3A_193 = arith.constant 9 : index
    %swap3A_194 = vector.load %arg2[%swap3A_192, %swap3A_193] : memref<512x40xi32, #tpu.memory_space<vmem>>, vector<512x1xi32>
    tpu.vector_store %arg2[%swap3A_192, %swap3A_193], %add3A_191 {strides = array<i32>} : memref<512x40xi32, #tpu.memory_space<vmem>>, vector<512x1xi32>,
    %eq3A_195 = vector.broadcast %broadcast_in_dim3A_190 : vector<512x1xi32> to vector<512x96xi32>
    %eq3A_196 = arith.cmpi eq, %iota3A, %eq3A_195 : vector<512x96xi32>
    %jit3A_197 = arith.constant 0xFF800000 : f32
    %broadcast_in_dim3A_198 = vector.broadcast %jit3A_197 : f32 to vector<512x96xf32>
    %select_n3A_199 = arith.select %eq3A_196, %broadcast_in_dim3A_198, %select_n3A_179 : vector<512x96xi1>, vector<512x96xf32>
    %reduce_max3A_200 = arith.constant dense<0xFF800000> : vector<512xf32>
    %reduce_max3A_201 = vector.multi_reduction <maximumf>, %select_n3A_199, %reduce_max3A_200 [1] : vector<512x96xf32> to vector<512xf32>
    %broadcast_in_dim3A_202 = vector.shape_cast %reduce_max3A_201 : vector<512xf32> to vector<512x1xf32>
    %ge3A_203 = vector.broadcast %broadcast_in_dim3A_202 : vector<512x1xf32> to vector<512x96xf32>
    %ge3A_204 = arith.cmpf oge, %select_n3A_199, %ge3A_203 : vector<512x96xf32>
    %jit3A_205 = arith.constant 1073741824 : i32
    %broadcast_in_dim3A_206 = vector.broadcast %jit3A_205 : i32 to vector<512x96xi32>
    %select_n3A_207 = arith.select %ge3A_204, %iota3A, %broadcast_in_dim3A_206 : vector<512x96xi1>, vector<512x96xi32>
    %reduce_min3A_208 = arith.constant dense<2147483647> : vector<512xi32>
    %reduce_min3A_209 = vector.multi_reduction <minsi>, %select_n3A_207, %reduce_min3A_208 [1] : vector<512x96xi32> to vector<512xi32>
    %broadcast_in_dim3A_210 = vector.shape_cast %reduce_min3A_209 : vector<512xi32> to vector<512x1xi32>
    %add3A_211 = arith.addi %mul3A_7, %broadcast_in_dim3A_210 : vector<512x1xi32>
    %swap3A_212 = arith.constant 0 : index
    %swap3A_213 = arith.constant 10 : index
    %swap3A_214 = vector.load %arg2[%swap3A_212, %swap3A_213] : memref<512x40xi32, #tpu.memory_space<vmem>>, vector<512x1xi32>
    tpu.vector_store %arg2[%swap3A_212, %swap3A_213], %add3A_211 {strides = array<i32>} : memref<512x40xi32, #tpu.memory_space<vmem>>, vector<512x1xi32>,
    %eq3A_215 = vector.broadcast %broadcast_in_dim3A_210 : vector<512x1xi32> to vector<512x96xi32>
    %eq3A_216 = arith.cmpi eq, %iota3A, %eq3A_215 : vector<512x96xi32>
    %jit3A_217 = arith.constant 0xFF800000 : f32
    %broadcast_in_dim3A_218 = vector.broadcast %jit3A_217 : f32 to vector<512x96xf32>
    %select_n3A_219 = arith.select %eq3A_216, %broadcast_in_dim3A_218, %select_n3A_199 : vector<512x96xi1>, vector<512x96xf32>
    %reduce_max3A_220 = arith.constant dense<0xFF800000> : vector<512xf32>
    %reduce_max3A_221 = vector.multi_reduction <maximumf>, %select_n3A_219, %reduce_max3A_220 [1] : vector<512x96xf32> to vector<512xf32>
    %broadcast_in_dim3A_222 = vector.shape_cast %reduce_max3A_221 : vector<512xf32> to vector<512x1xf32>
    %ge3A_223 = vector.broadcast %broadcast_in_dim3A_222 : vector<512x1xf32> to vector<512x96xf32>
    %ge3A_224 = arith.cmpf oge, %select_n3A_219, %ge3A_223 : vector<512x96xf32>
    %jit3A_225 = arith.constant 1073741824 : i32
    %broadcast_in_dim3A_226 = vector.broadcast %jit3A_225 : i32 to vector<512x96xi32>
    %select_n3A_227 = arith.select %ge3A_224, %iota3A, %broadcast_in_dim3A_226 : vector<512x96xi1>, vector<512x96xi32>
    %reduce_min3A_228 = arith.constant dense<2147483647> : vector<512xi32>
    %reduce_min3A_229 = vector.multi_reduction <minsi>, %select_n3A_227, %reduce_min3A_228 [1] : vector<512x96xi32> to vector<512xi32>
    %broadcast_in_dim3A_230 = vector.shape_cast %reduce_min3A_229 : vector<512xi32> to vector<512x1xi32>
    %add3A_231 = arith.addi %mul3A_7, %broadcast_in_dim3A_230 : vector<512x1xi32>
    %swap3A_232 = arith.constant 0 : index
    %swap3A_233 = arith.constant 11 : index
    %swap3A_234 = vector.load %arg2[%swap3A_232, %swap3A_233] : memref<512x40xi32, #tpu.memory_space<vmem>>, vector<512x1xi32>
    tpu.vector_store %arg2[%swap3A_232, %swap3A_233], %add3A_231 {strides = array<i32>} : memref<512x40xi32, #tpu.memory_space<vmem>>, vector<512x1xi32>,
    %eq3A_235 = vector.broadcast %broadcast_in_dim3A_230 : vector<512x1xi32> to vector<512x96xi32>
    %eq3A_236 = arith.cmpi eq, %iota3A, %eq3A_235 : vector<512x96xi32>
    %jit3A_237 = arith.constant 0xFF800000 : f32
    %broadcast_in_dim3A_238 = vector.broadcast %jit3A_237 : f32 to vector<512x96xf32>
    %select_n3A_239 = arith.select %eq3A_236, %broadcast_in_dim3A_238, %select_n3A_219 : vector<512x96xi1>, vector<512x96xf32>
    %reduce_max3A_240 = arith.constant dense<0xFF800000> : vector<512xf32>
    %reduce_max3A_241 = vector.multi_reduction <maximumf>, %select_n3A_239, %reduce_max3A_240 [1] : vector<512x96xf32> to vector<512xf32>
    %broadcast_in_dim3A_242 = vector.shape_cast %reduce_max3A_241 : vector<512xf32> to vector<512x1xf32>
    %ge3A_243 = vector.broadcast %broadcast_in_dim3A_242 : vector<512x1xf32> to vector<512x96xf32>
    %ge3A_244 = arith.cmpf oge, %select_n3A_239, %ge3A_243 : vector<512x96xf32>
    %jit3A_245 = arith.constant 1073741824 : i32
    %broadcast_in_dim3A_246 = vector.broadcast %jit3A_245 : i32 to vector<512x96xi32>
    %select_n3A_247 = arith.select %ge3A_244, %iota3A, %broadcast_in_dim3A_246 : vector<512x96xi1>, vector<512x96xi32>
    %reduce_min3A_248 = arith.constant dense<2147483647> : vector<512xi32>
    %reduce_min3A_249 = vector.multi_reduction <minsi>, %select_n3A_247, %reduce_min3A_248 [1] : vector<512x96xi32> to vector<512xi32>
    %broadcast_in_dim3A_250 = vector.shape_cast %reduce_min3A_249 : vector<512xi32> to vector<512x1xi32>
    %add3A_251 = arith.addi %mul3A_7, %broadcast_in_dim3A_250 : vector<512x1xi32>
    %swap3A_252 = arith.constant 0 : index
    %swap3A_253 = arith.constant 12 : index
    %swap3A_254 = vector.load %arg2[%swap3A_252, %swap3A_253] : memref<512x40xi32, #tpu.memory_space<vmem>>, vector<512x1xi32>
    tpu.vector_store %arg2[%swap3A_252, %swap3A_253], %add3A_251 {strides = array<i32>} : memref<512x40xi32, #tpu.memory_space<vmem>>, vector<512x1xi32>,
    %eq3A_255 = vector.broadcast %broadcast_in_dim3A_250 : vector<512x1xi32> to vector<512x96xi32>
    %eq3A_256 = arith.cmpi eq, %iota3A, %eq3A_255 : vector<512x96xi32>
    %jit3A_257 = arith.constant 0xFF800000 : f32
    %broadcast_in_dim3A_258 = vector.broadcast %jit3A_257 : f32 to vector<512x96xf32>
    %select_n3A_259 = arith.select %eq3A_256, %broadcast_in_dim3A_258, %select_n3A_239 : vector<512x96xi1>, vector<512x96xf32>
    %reduce_max3A_260 = arith.constant dense<0xFF800000> : vector<512xf32>
    %reduce_max3A_261 = vector.multi_reduction <maximumf>, %select_n3A_259, %reduce_max3A_260 [1] : vector<512x96xf32> to vector<512xf32>
    %broadcast_in_dim3A_262 = vector.shape_cast %reduce_max3A_261 : vector<512xf32> to vector<512x1xf32>
    %ge3A_263 = vector.broadcast %broadcast_in_dim3A_262 : vector<512x1xf32> to vector<512x96xf32>
    %ge3A_264 = arith.cmpf oge, %select_n3A_259, %ge3A_263 : vector<512x96xf32>
    %jit3A_265 = arith.constant 1073741824 : i32
    %broadcast_in_dim3A_266 = vector.broadcast %jit3A_265 : i32 to vector<512x96xi32>
    %select_n3A_267 = arith.select %ge3A_264, %iota3A, %broadcast_in_dim3A_266 : vector<512x96xi1>, vector<512x96xi32>
    %reduce_min3A_268 = arith.constant dense<2147483647> : vector<512xi32>
    %reduce_min3A_269 = vector.multi_reduction <minsi>, %select_n3A_267, %reduce_min3A_268 [1] : vector<512x96xi32> to vector<512xi32>
    %broadcast_in_dim3A_270 = vector.shape_cast %reduce_min3A_269 : vector<512xi32> to vector<512x1xi32>
    %add3A_271 = arith.addi %mul3A_7, %broadcast_in_dim3A_270 : vector<512x1xi32>
    %swap3A_272 = arith.constant 0 : index
    %swap3A_273 = arith.constant 13 : index
    %swap3A_274 = vector.load %arg2[%swap3A_272, %swap3A_273] : memref<512x40xi32, #tpu.memory_space<vmem>>, vector<512x1xi32>
    tpu.vector_store %arg2[%swap3A_272, %swap3A_273], %add3A_271 {strides = array<i32>} : memref<512x40xi32, #tpu.memory_space<vmem>>, vector<512x1xi32>,
    %eq3A_275 = vector.broadcast %broadcast_in_dim3A_270 : vector<512x1xi32> to vector<512x96xi32>
    %eq3A_276 = arith.cmpi eq, %iota3A, %eq3A_275 : vector<512x96xi32>
    %jit3A_277 = arith.constant 0xFF800000 : f32
    %broadcast_in_dim3A_278 = vector.broadcast %jit3A_277 : f32 to vector<512x96xf32>
    %select_n3A_279 = arith.select %eq3A_276, %broadcast_in_dim3A_278, %select_n3A_259 : vector<512x96xi1>, vector<512x96xf32>
    %reduce_max3A_280 = arith.constant dense<0xFF800000> : vector<512xf32>
    %reduce_max3A_281 = vector.multi_reduction <maximumf>, %select_n3A_279, %reduce_max3A_280 [1] : vector<512x96xf32> to vector<512xf32>
    %broadcast_in_dim3A_282 = vector.shape_cast %reduce_max3A_281 : vector<512xf32> to vector<512x1xf32>
    %ge3A_283 = vector.broadcast %broadcast_in_dim3A_282 : vector<512x1xf32> to vector<512x96xf32>
    %ge3A_284 = arith.cmpf oge, %select_n3A_279, %ge3A_283 : vector<512x96xf32>
    %jit3A_285 = arith.constant 1073741824 : i32
    %broadcast_in_dim3A_286 = vector.broadcast %jit3A_285 : i32 to vector<512x96xi32>
    %select_n3A_287 = arith.select %ge3A_284, %iota3A, %broadcast_in_dim3A_286 : vector<512x96xi1>, vector<512x96xi32>
    %reduce_min3A_288 = arith.constant dense<2147483647> : vector<512xi32>
    %reduce_min3A_289 = vector.multi_reduction <minsi>, %select_n3A_287, %reduce_min3A_288 [1] : vector<512x96xi32> to vector<512xi32>
    %broadcast_in_dim3A_290 = vector.shape_cast %reduce_min3A_289 : vector<512xi32> to vector<512x1xi32>
    %add3A_291 = arith.addi %mul3A_7, %broadcast_in_dim3A_290 : vector<512x1xi32>
    %swap3A_292 = arith.constant 0 : index
    %swap3A_293 = arith.constant 14 : index
    %swap3A_294 = vector.load %arg2[%swap3A_292, %swap3A_293] : memref<512x40xi32, #tpu.memory_space<vmem>>, vector<512x1xi32>
    tpu.vector_store %arg2[%swap3A_292, %swap3A_293], %add3A_291 {strides = array<i32>} : memref<512x40xi32, #tpu.memory_space<vmem>>, vector<512x1xi32>,
    %eq3A_295 = vector.broadcast %broadcast_in_dim3A_290 : vector<512x1xi32> to vector<512x96xi32>
    %eq3A_296 = arith.cmpi eq, %iota3A, %eq3A_295 : vector<512x96xi32>
    %jit3A_297 = arith.constant 0xFF800000 : f32
    %broadcast_in_dim3A_298 = vector.broadcast %jit3A_297 : f32 to vector<512x96xf32>
    %select_n3A_299 = arith.select %eq3A_296, %broadcast_in_dim3A_298, %select_n3A_279 : vector<512x96xi1>, vector<512x96xf32>
    %reduce_max3A_300 = arith.constant dense<0xFF800000> : vector<512xf32>
    %reduce_max3A_301 = vector.multi_reduction <maximumf>, %select_n3A_299, %reduce_max3A_300 [1] : vector<512x96xf32> to vector<512xf32>
    %broadcast_in_dim3A_302 = vector.shape_cast %reduce_max3A_301 : vector<512xf32> to vector<512x1xf32>
    %ge3A_303 = vector.broadcast %broadcast_in_dim3A_302 : vector<512x1xf32> to vector<512x96xf32>
    %ge3A_304 = arith.cmpf oge, %select_n3A_299, %ge3A_303 : vector<512x96xf32>
    %jit3A_305 = arith.constant 1073741824 : i32
    %broadcast_in_dim3A_306 = vector.broadcast %jit3A_305 : i32 to vector<512x96xi32>
    %select_n3A_307 = arith.select %ge3A_304, %iota3A, %broadcast_in_dim3A_306 : vector<512x96xi1>, vector<512x96xi32>
    %reduce_min3A_308 = arith.constant dense<2147483647> : vector<512xi32>
    %reduce_min3A_309 = vector.multi_reduction <minsi>, %select_n3A_307, %reduce_min3A_308 [1] : vector<512x96xi32> to vector<512xi32>
    %broadcast_in_dim3A_310 = vector.shape_cast %reduce_min3A_309 : vector<512xi32> to vector<512x1xi32>
    %add3A_311 = arith.addi %mul3A_7, %broadcast_in_dim3A_310 : vector<512x1xi32>
    %swap3A_312 = arith.constant 0 : index
    %swap3A_313 = arith.constant 15 : index
    %swap3A_314 = vector.load %arg2[%swap3A_312, %swap3A_313] : memref<512x40xi32, #tpu.memory_space<vmem>>, vector<512x1xi32>
    tpu.vector_store %arg2[%swap3A_312, %swap3A_313], %add3A_311 {strides = array<i32>} : memref<512x40xi32, #tpu.memory_space<vmem>>, vector<512x1xi32>,
    %eq3A_315 = vector.broadcast %broadcast_in_dim3A_310 : vector<512x1xi32> to vector<512x96xi32>
    %eq3A_316 = arith.cmpi eq, %iota3A, %eq3A_315 : vector<512x96xi32>
    %jit3A_317 = arith.constant 0xFF800000 : f32
    %broadcast_in_dim3A_318 = vector.broadcast %jit3A_317 : f32 to vector<512x96xf32>
    %select_n3A_319 = arith.select %eq3A_316, %broadcast_in_dim3A_318, %select_n3A_299 : vector<512x96xi1>, vector<512x96xf32>
    %reduce_max3A_320 = arith.constant dense<0xFF800000> : vector<512xf32>
    %reduce_max3A_321 = vector.multi_reduction <maximumf>, %select_n3A_319, %reduce_max3A_320 [1] : vector<512x96xf32> to vector<512xf32>
    %broadcast_in_dim3A_322 = vector.shape_cast %reduce_max3A_321 : vector<512xf32> to vector<512x1xf32>
    %ge3A_323 = vector.broadcast %broadcast_in_dim3A_322 : vector<512x1xf32> to vector<512x96xf32>
    %ge3A_324 = arith.cmpf oge, %select_n3A_319, %ge3A_323 : vector<512x96xf32>
    %jit3A_325 = arith.constant 1073741824 : i32
    %broadcast_in_dim3A_326 = vector.broadcast %jit3A_325 : i32 to vector<512x96xi32>
    %select_n3A_327 = arith.select %ge3A_324, %iota3A, %broadcast_in_dim3A_326 : vector<512x96xi1>, vector<512x96xi32>
    %reduce_min3A_328 = arith.constant dense<2147483647> : vector<512xi32>
    %reduce_min3A_329 = vector.multi_reduction <minsi>, %select_n3A_327, %reduce_min3A_328 [1] : vector<512x96xi32> to vector<512xi32>
    %broadcast_in_dim3A_330 = vector.shape_cast %reduce_min3A_329 : vector<512xi32> to vector<512x1xi32>
    %add3A_331 = arith.addi %mul3A_7, %broadcast_in_dim3A_330 : vector<512x1xi32>
    %swap3A_332 = arith.constant 0 : index
    %swap3A_333 = arith.constant 16 : index
    %swap3A_334 = vector.load %arg2[%swap3A_332, %swap3A_333] : memref<512x40xi32, #tpu.memory_space<vmem>>, vector<512x1xi32>
    tpu.vector_store %arg2[%swap3A_332, %swap3A_333], %add3A_331 {strides = array<i32>} : memref<512x40xi32, #tpu.memory_space<vmem>>, vector<512x1xi32>,
    %eq3A_335 = vector.broadcast %broadcast_in_dim3A_330 : vector<512x1xi32> to vector<512x96xi32>
    %eq3A_336 = arith.cmpi eq, %iota3A, %eq3A_335 : vector<512x96xi32>
    %jit3A_337 = arith.constant 0xFF800000 : f32
    %broadcast_in_dim3A_338 = vector.broadcast %jit3A_337 : f32 to vector<512x96xf32>
    %select_n3A_339 = arith.select %eq3A_336, %broadcast_in_dim3A_338, %select_n3A_319 : vector<512x96xi1>, vector<512x96xf32>
    %reduce_max3A_340 = arith.constant dense<0xFF800000> : vector<512xf32>
    %reduce_max3A_341 = vector.multi_reduction <maximumf>, %select_n3A_339, %reduce_max3A_340 [1] : vector<512x96xf32> to vector<512xf32>
    %broadcast_in_dim3A_342 = vector.shape_cast %reduce_max3A_341 : vector<512xf32> to vector<512x1xf32>
    %ge3A_343 = vector.broadcast %broadcast_in_dim3A_342 : vector<512x1xf32> to vector<512x96xf32>
    %ge3A_344 = arith.cmpf oge, %select_n3A_339, %ge3A_343 : vector<512x96xf32>
    %jit3A_345 = arith.constant 1073741824 : i32
    %broadcast_in_dim3A_346 = vector.broadcast %jit3A_345 : i32 to vector<512x96xi32>
    %select_n3A_347 = arith.select %ge3A_344, %iota3A, %broadcast_in_dim3A_346 : vector<512x96xi1>, vector<512x96xi32>
    %reduce_min3A_348 = arith.constant dense<2147483647> : vector<512xi32>
    %reduce_min3A_349 = vector.multi_reduction <minsi>, %select_n3A_347, %reduce_min3A_348 [1] : vector<512x96xi32> to vector<512xi32>
    %broadcast_in_dim3A_350 = vector.shape_cast %reduce_min3A_349 : vector<512xi32> to vector<512x1xi32>
    %add3A_351 = arith.addi %mul3A_7, %broadcast_in_dim3A_350 : vector<512x1xi32>
    %swap3A_352 = arith.constant 0 : index
    %swap3A_353 = arith.constant 17 : index
    %swap3A_354 = vector.load %arg2[%swap3A_352, %swap3A_353] : memref<512x40xi32, #tpu.memory_space<vmem>>, vector<512x1xi32>
    tpu.vector_store %arg2[%swap3A_352, %swap3A_353], %add3A_351 {strides = array<i32>} : memref<512x40xi32, #tpu.memory_space<vmem>>, vector<512x1xi32>,
    %eq3A_355 = vector.broadcast %broadcast_in_dim3A_350 : vector<512x1xi32> to vector<512x96xi32>
    %eq3A_356 = arith.cmpi eq, %iota3A, %eq3A_355 : vector<512x96xi32>
    %jit3A_357 = arith.constant 0xFF800000 : f32
    %broadcast_in_dim3A_358 = vector.broadcast %jit3A_357 : f32 to vector<512x96xf32>
    %select_n3A_359 = arith.select %eq3A_356, %broadcast_in_dim3A_358, %select_n3A_339 : vector<512x96xi1>, vector<512x96xf32>
    %reduce_max3A_360 = arith.constant dense<0xFF800000> : vector<512xf32>
    %reduce_max3A_361 = vector.multi_reduction <maximumf>, %select_n3A_359, %reduce_max3A_360 [1] : vector<512x96xf32> to vector<512xf32>
    %broadcast_in_dim3A_362 = vector.shape_cast %reduce_max3A_361 : vector<512xf32> to vector<512x1xf32>
    %ge3A_363 = vector.broadcast %broadcast_in_dim3A_362 : vector<512x1xf32> to vector<512x96xf32>
    %ge3A_364 = arith.cmpf oge, %select_n3A_359, %ge3A_363 : vector<512x96xf32>
    %jit3A_365 = arith.constant 1073741824 : i32
    %broadcast_in_dim3A_366 = vector.broadcast %jit3A_365 : i32 to vector<512x96xi32>
    %select_n3A_367 = arith.select %ge3A_364, %iota3A, %broadcast_in_dim3A_366 : vector<512x96xi1>, vector<512x96xi32>
    %reduce_min3A_368 = arith.constant dense<2147483647> : vector<512xi32>
    %reduce_min3A_369 = vector.multi_reduction <minsi>, %select_n3A_367, %reduce_min3A_368 [1] : vector<512x96xi32> to vector<512xi32>
    %broadcast_in_dim3A_370 = vector.shape_cast %reduce_min3A_369 : vector<512xi32> to vector<512x1xi32>
    %add3A_371 = arith.addi %mul3A_7, %broadcast_in_dim3A_370 : vector<512x1xi32>
    %swap3A_372 = arith.constant 0 : index
    %swap3A_373 = arith.constant 18 : index
    %swap3A_374 = vector.load %arg2[%swap3A_372, %swap3A_373] : memref<512x40xi32, #tpu.memory_space<vmem>>, vector<512x1xi32>
    tpu.vector_store %arg2[%swap3A_372, %swap3A_373], %add3A_371 {strides = array<i32>} : memref<512x40xi32, #tpu.memory_space<vmem>>, vector<512x1xi32>,
    %eq3A_375 = vector.broadcast %broadcast_in_dim3A_370 : vector<512x1xi32> to vector<512x96xi32>
    %eq3A_376 = arith.cmpi eq, %iota3A, %eq3A_375 : vector<512x96xi32>
    %jit3A_377 = arith.constant 0xFF800000 : f32
    %broadcast_in_dim3A_378 = vector.broadcast %jit3A_377 : f32 to vector<512x96xf32>
    %select_n3A_379 = arith.select %eq3A_376, %broadcast_in_dim3A_378, %select_n3A_359 : vector<512x96xi1>, vector<512x96xf32>
    %reduce_max3A_380 = arith.constant dense<0xFF800000> : vector<512xf32>
    %reduce_max3A_381 = vector.multi_reduction <maximumf>, %select_n3A_379, %reduce_max3A_380 [1] : vector<512x96xf32> to vector<512xf32>
    %broadcast_in_dim3A_382 = vector.shape_cast %reduce_max3A_381 : vector<512xf32> to vector<512x1xf32>
    %ge3A_383 = vector.broadcast %broadcast_in_dim3A_382 : vector<512x1xf32> to vector<512x96xf32>
    %ge3A_384 = arith.cmpf oge, %select_n3A_379, %ge3A_383 : vector<512x96xf32>
    %jit3A_385 = arith.constant 1073741824 : i32
    %broadcast_in_dim3A_386 = vector.broadcast %jit3A_385 : i32 to vector<512x96xi32>
    %select_n3A_387 = arith.select %ge3A_384, %iota3A, %broadcast_in_dim3A_386 : vector<512x96xi1>, vector<512x96xi32>
    %reduce_min3A_388 = arith.constant dense<2147483647> : vector<512xi32>
    %reduce_min3A_389 = vector.multi_reduction <minsi>, %select_n3A_387, %reduce_min3A_388 [1] : vector<512x96xi32> to vector<512xi32>
    %broadcast_in_dim3A_390 = vector.shape_cast %reduce_min3A_389 : vector<512xi32> to vector<512x1xi32>
    %add3A_391 = arith.addi %mul3A_7, %broadcast_in_dim3A_390 : vector<512x1xi32>
    %swap3A_392 = arith.constant 0 : index
    %swap3A_393 = arith.constant 19 : index
    %swap3A_394 = vector.load %arg2[%swap3A_392, %swap3A_393] : memref<512x40xi32, #tpu.memory_space<vmem>>, vector<512x1xi32>
    tpu.vector_store %arg2[%swap3A_392, %swap3A_393], %add3A_391 {strides = array<i32>} : memref<512x40xi32, #tpu.memory_space<vmem>>, vector<512x1xi32>,
    %eq3A_395 = vector.broadcast %broadcast_in_dim3A_390 : vector<512x1xi32> to vector<512x96xi32>
    %eq3A_396 = arith.cmpi eq, %iota3A, %eq3A_395 : vector<512x96xi32>
    %jit3A_397 = arith.constant 0xFF800000 : f32
    %broadcast_in_dim3A_398 = vector.broadcast %jit3A_397 : f32 to vector<512x96xf32>
    %select_n3A_399 = arith.select %eq3A_396, %broadcast_in_dim3A_398, %select_n3A_379 : vector<512x96xi1>, vector<512x96xf32>
    %reduce_max3A_400 = arith.constant dense<0xFF800000> : vector<512xf32>
    %reduce_max3A_401 = vector.multi_reduction <maximumf>, %select_n3A_399, %reduce_max3A_400 [1] : vector<512x96xf32> to vector<512xf32>
    %broadcast_in_dim3A_402 = vector.shape_cast %reduce_max3A_401 : vector<512xf32> to vector<512x1xf32>
    %ge3A_403 = vector.broadcast %broadcast_in_dim3A_402 : vector<512x1xf32> to vector<512x96xf32>
    %ge3A_404 = arith.cmpf oge, %select_n3A_399, %ge3A_403 : vector<512x96xf32>
    %jit3A_405 = arith.constant 1073741824 : i32
    %broadcast_in_dim3A_406 = vector.broadcast %jit3A_405 : i32 to vector<512x96xi32>
    %select_n3A_407 = arith.select %ge3A_404, %iota3A, %broadcast_in_dim3A_406 : vector<512x96xi1>, vector<512x96xi32>
    %reduce_min3A_408 = arith.constant dense<2147483647> : vector<512xi32>
    %reduce_min3A_409 = vector.multi_reduction <minsi>, %select_n3A_407, %reduce_min3A_408 [1] : vector<512x96xi32> to vector<512xi32>
    %broadcast_in_dim3A_410 = vector.shape_cast %reduce_min3A_409 : vector<512xi32> to vector<512x1xi32>
    %add3A_411 = arith.addi %mul3A_7, %broadcast_in_dim3A_410 : vector<512x1xi32>
    %swap3A_412 = arith.constant 0 : index
    %swap3A_413 = arith.constant 20 : index
    %swap3A_414 = vector.load %arg2[%swap3A_412, %swap3A_413] : memref<512x40xi32, #tpu.memory_space<vmem>>, vector<512x1xi32>
    tpu.vector_store %arg2[%swap3A_412, %swap3A_413], %add3A_411 {strides = array<i32>} : memref<512x40xi32, #tpu.memory_space<vmem>>, vector<512x1xi32>,
    %eq3A_415 = vector.broadcast %broadcast_in_dim3A_410 : vector<512x1xi32> to vector<512x96xi32>
    %eq3A_416 = arith.cmpi eq, %iota3A, %eq3A_415 : vector<512x96xi32>
    %jit3A_417 = arith.constant 0xFF800000 : f32
    %broadcast_in_dim3A_418 = vector.broadcast %jit3A_417 : f32 to vector<512x96xf32>
    %select_n3A_419 = arith.select %eq3A_416, %broadcast_in_dim3A_418, %select_n3A_399 : vector<512x96xi1>, vector<512x96xf32>
    %reduce_max3A_420 = arith.constant dense<0xFF800000> : vector<512xf32>
    %reduce_max3A_421 = vector.multi_reduction <maximumf>, %select_n3A_419, %reduce_max3A_420 [1] : vector<512x96xf32> to vector<512xf32>
    %broadcast_in_dim3A_422 = vector.shape_cast %reduce_max3A_421 : vector<512xf32> to vector<512x1xf32>
    %ge3A_423 = vector.broadcast %broadcast_in_dim3A_422 : vector<512x1xf32> to vector<512x96xf32>
    %ge3A_424 = arith.cmpf oge, %select_n3A_419, %ge3A_423 : vector<512x96xf32>
    %jit3A_425 = arith.constant 1073741824 : i32
    %broadcast_in_dim3A_426 = vector.broadcast %jit3A_425 : i32 to vector<512x96xi32>
    %select_n3A_427 = arith.select %ge3A_424, %iota3A, %broadcast_in_dim3A_426 : vector<512x96xi1>, vector<512x96xi32>
    %reduce_min3A_428 = arith.constant dense<2147483647> : vector<512xi32>
    %reduce_min3A_429 = vector.multi_reduction <minsi>, %select_n3A_427, %reduce_min3A_428 [1] : vector<512x96xi32> to vector<512xi32>
    %broadcast_in_dim3A_430 = vector.shape_cast %reduce_min3A_429 : vector<512xi32> to vector<512x1xi32>
    %add3A_431 = arith.addi %mul3A_7, %broadcast_in_dim3A_430 : vector<512x1xi32>
    %swap3A_432 = arith.constant 0 : index
    %swap3A_433 = arith.constant 21 : index
    %swap3A_434 = vector.load %arg2[%swap3A_432, %swap3A_433] : memref<512x40xi32, #tpu.memory_space<vmem>>, vector<512x1xi32>
    tpu.vector_store %arg2[%swap3A_432, %swap3A_433], %add3A_431 {strides = array<i32>} : memref<512x40xi32, #tpu.memory_space<vmem>>, vector<512x1xi32>,
    %eq3A_435 = vector.broadcast %broadcast_in_dim3A_430 : vector<512x1xi32> to vector<512x96xi32>
    %eq3A_436 = arith.cmpi eq, %iota3A, %eq3A_435 : vector<512x96xi32>
    %jit3A_437 = arith.constant 0xFF800000 : f32
    %broadcast_in_dim3A_438 = vector.broadcast %jit3A_437 : f32 to vector<512x96xf32>
    %select_n3A_439 = arith.select %eq3A_436, %broadcast_in_dim3A_438, %select_n3A_419 : vector<512x96xi1>, vector<512x96xf32>
    %reduce_max3A_440 = arith.constant dense<0xFF800000> : vector<512xf32>
    %reduce_max3A_441 = vector.multi_reduction <maximumf>, %select_n3A_439, %reduce_max3A_440 [1] : vector<512x96xf32> to vector<512xf32>
    %broadcast_in_dim3A_442 = vector.shape_cast %reduce_max3A_441 : vector<512xf32> to vector<512x1xf32>
    %ge3A_443 = vector.broadcast %broadcast_in_dim3A_442 : vector<512x1xf32> to vector<512x96xf32>
    %ge3A_444 = arith.cmpf oge, %select_n3A_439, %ge3A_443 : vector<512x96xf32>
    %jit3A_445 = arith.constant 1073741824 : i32
    %broadcast_in_dim3A_446 = vector.broadcast %jit3A_445 : i32 to vector<512x96xi32>
    %select_n3A_447 = arith.select %ge3A_444, %iota3A, %broadcast_in_dim3A_446 : vector<512x96xi1>, vector<512x96xi32>
    %reduce_min3A_448 = arith.constant dense<2147483647> : vector<512xi32>
    %reduce_min3A_449 = vector.multi_reduction <minsi>, %select_n3A_447, %reduce_min3A_448 [1] : vector<512x96xi32> to vector<512xi32>
    %broadcast_in_dim3A_450 = vector.shape_cast %reduce_min3A_449 : vector<512xi32> to vector<512x1xi32>
    %add3A_451 = arith.addi %mul3A_7, %broadcast_in_dim3A_450 : vector<512x1xi32>
    %swap3A_452 = arith.constant 0 : index
    %swap3A_453 = arith.constant 22 : index
    %swap3A_454 = vector.load %arg2[%swap3A_452, %swap3A_453] : memref<512x40xi32, #tpu.memory_space<vmem>>, vector<512x1xi32>
    tpu.vector_store %arg2[%swap3A_452, %swap3A_453], %add3A_451 {strides = array<i32>} : memref<512x40xi32, #tpu.memory_space<vmem>>, vector<512x1xi32>,
    %eq3A_455 = vector.broadcast %broadcast_in_dim3A_450 : vector<512x1xi32> to vector<512x96xi32>
    %eq3A_456 = arith.cmpi eq, %iota3A, %eq3A_455 : vector<512x96xi32>
    %jit3A_457 = arith.constant 0xFF800000 : f32
    %broadcast_in_dim3A_458 = vector.broadcast %jit3A_457 : f32 to vector<512x96xf32>
    %select_n3A_459 = arith.select %eq3A_456, %broadcast_in_dim3A_458, %select_n3A_439 : vector<512x96xi1>, vector<512x96xf32>
    %reduce_max3A_460 = arith.constant dense<0xFF800000> : vector<512xf32>
    %reduce_max3A_461 = vector.multi_reduction <maximumf>, %select_n3A_459, %reduce_max3A_460 [1] : vector<512x96xf32> to vector<512xf32>
    %broadcast_in_dim3A_462 = vector.shape_cast %reduce_max3A_461 : vector<512xf32> to vector<512x1xf32>
    %ge3A_463 = vector.broadcast %broadcast_in_dim3A_462 : vector<512x1xf32> to vector<512x96xf32>
    %ge3A_464 = arith.cmpf oge, %select_n3A_459, %ge3A_463 : vector<512x96xf32>
    %jit3A_465 = arith.constant 1073741824 : i32
    %broadcast_in_dim3A_466 = vector.broadcast %jit3A_465 : i32 to vector<512x96xi32>
    %select_n3A_467 = arith.select %ge3A_464, %iota3A, %broadcast_in_dim3A_466 : vector<512x96xi1>, vector<512x96xi32>
    %reduce_min3A_468 = arith.constant dense<2147483647> : vector<512xi32>
    %reduce_min3A_469 = vector.multi_reduction <minsi>, %select_n3A_467, %reduce_min3A_468 [1] : vector<512x96xi32> to vector<512xi32>
    %broadcast_in_dim3A_470 = vector.shape_cast %reduce_min3A_469 : vector<512xi32> to vector<512x1xi32>
    %add3A_471 = arith.addi %mul3A_7, %broadcast_in_dim3A_470 : vector<512x1xi32>
    %swap3A_472 = arith.constant 0 : index
    %swap3A_473 = arith.constant 23 : index
    %swap3A_474 = vector.load %arg2[%swap3A_472, %swap3A_473] : memref<512x40xi32, #tpu.memory_space<vmem>>, vector<512x1xi32>
    tpu.vector_store %arg2[%swap3A_472, %swap3A_473], %add3A_471 {strides = array<i32>} : memref<512x40xi32, #tpu.memory_space<vmem>>, vector<512x1xi32>,
    %broadcast_in_dim3A_475 = arith.constant 0 : i32
    %broadcast_in_dim3A_476 = vector.broadcast %broadcast_in_dim3A_475 : i32 to vector<512x16xi32>
    %swap3A_477 = arith.constant 0 : index
    %swap3A_478 = arith.constant 24 : index
    %swap3A_479 = vector.load %arg2[%swap3A_477, %swap3A_478] : memref<512x40xi32, #tpu.memory_space<vmem>>, vector<512x16xi32>
    tpu.vector_store %arg2[%swap3A_477, %swap3A_478], %broadcast_in_dim3A_476 {strides = array<i32>} : memref<512x40xi32, #tpu.memory_space<vmem>>, vector<512x16xi32>,
    %swap3A_480 = arith.constant 0 : index
    %swap3A_481 = arith.constant 0 : index
    %swap3A_482 = vector.load %arg3[%swap3A_480, %swap3A_481] : memref<512x1xf32, #tpu.memory_space<vmem>>, vector<512x1xf32>
    tpu.vector_store %arg3[%swap3A_480, %swap3A_481], %broadcast_in_dim3A_462 {strides = array<i32>} : memref<512x1xf32, #tpu.memory_space<vmem>>, vector<512x1xf32>,
    return
  }
  func.func @transform_0(%arg0: i32) -> (i32, i32) {
    %c0_i32 = arith.constant 0 : i32
    %c0_i32_0 = arith.constant 0 : i32
    return %arg0, %c0_i32 : i32, i32
  }
  func.func @transform_1(%arg0: i32) -> (i32, i32) {
    %c0_i32 = arith.constant 0 : i32
    %c0_i32_0 = arith.constant 0 : i32
    return %arg0, %c0_i32 : i32, i32
  }
  func.func @transform_2(%arg0: i32) -> (i32, i32) {
    %c0_i32 = arith.constant 0 : i32
    %c0_i32_0 = arith.constant 0 : i32
    return %arg0, %c0_i32 : i32, i32
  }
}

module attributes {stable_mosaic.version = 14 : i64} {
  func.func @_dec_body(%arg0: i32, %arg1: i32, %arg2: memref<256x2048xf32, #tpu.memory_space<vmem>>, %arg3: memref<256x1xf32, #tpu.memory_space<vmem>>, %arg4: memref<2048x768xf32, #tpu.memory_space<vmem>>, %arg5: memref<1x768xf32, #tpu.memory_space<vmem>>, %arg6: memref<256x768xf32, #tpu.memory_space<vmem>>) attributes {dimension_semantics = [#tpu.dimension_semantics<parallel>, #tpu.dimension_semantics<arbitrary>], iteration_bounds = array<i64: 32, 6>, scalar_prefetch = 0 : i64, scratch_operands = 0 : i64, tpu.core_type = #tpu.core_type<tc>, window_params = [{transform_indices = @transform_0, window_bounds = array<i64: 256, 2048>}, {transform_indices = @transform_1, window_bounds = array<i64: 256, 1>}, {transform_indices = @transform_2, window_bounds = array<i64: 2048, 768>}, {pipeline_mode = #tpu.pipeline_mode<synchronous>, transform_indices = @transform_3, window_bounds = array<i64: 1, 768>}, {transform_indices = @transform_4, window_bounds = array<i64: 256, 768>}]} {
    %eq3A = arith.constant 0 : i32
    %eq3A_0 = arith.cmpi eq, %arg1, %eq3A : i32
    %convert_element_type3A = arith.extui %eq3A_0 : i1 to i32
    %cond3A = arith.constant 0 : i32
    %cond3A_1 = arith.cmpi ne, %convert_element_type3A, %cond3A : i32
    scf.if %cond3A_1 {
      %get3A_19 = arith.constant 0 : index
      %get3A_20 = arith.constant 0 : index
      %get3A_21 = vector.load %arg5[%get3A_19, %get3A_20] : memref<1x768xf32, #tpu.memory_space<vmem>>, vector<1x768xf32>
      %broadcast_in_dim3A_22 = vector.shape_cast %get3A_21 : vector<1x768xf32> to vector<1x768xf32>
      %broadcast_in_dim3A_23 = vector.broadcast %broadcast_in_dim3A_22 : vector<1x768xf32> to vector<256x768xf32>
      %swap3A_24 = arith.constant 0 : index
      %swap3A_25 = arith.constant 0 : index
      %swap3A_26 = vector.load %arg6[%swap3A_24, %swap3A_25] : memref<256x768xf32, #tpu.memory_space<vmem>>, vector<256x768xf32>
      tpu.vector_store %arg6[%swap3A_24, %swap3A_25], %broadcast_in_dim3A_23 {strides = array<i32>} : memref<256x768xf32, #tpu.memory_space<vmem>>, vector<256x768xf32>,
    } else {
    }
    %get3A = arith.constant 0 : index
    %get3A_2 = arith.constant 0 : index
    %get3A_3 = vector.load %arg2[%get3A, %get3A_2] : memref<256x2048xf32, #tpu.memory_space<vmem>>, vector<256x2048xf32>
    %get3A_4 = arith.constant 0 : index
    %get3A_5 = arith.constant 0 : index
    %get3A_6 = vector.load %arg3[%get3A_4, %get3A_5] : memref<256x1xf32, #tpu.memory_space<vmem>>, vector<256x1xf32>
    %ge3A = vector.broadcast %get3A_6 : vector<256x1xf32> to vector<256x2048xf32>
    %ge3A_7 = arith.cmpf oge, %get3A_3, %ge3A : vector<256x2048xf32>
    %jit3A = arith.constant 0.000000e+00 : f32
    %broadcast_in_dim3A = vector.broadcast %jit3A : f32 to vector<256x2048xf32>
    %select_n3A = arith.select %ge3A_7, %get3A_3, %broadcast_in_dim3A : vector<256x2048xi1>, vector<256x2048xf32>
    %get3A_8 = arith.constant 0 : index
    %get3A_9 = arith.constant 0 : index
    %get3A_10 = vector.load %arg6[%get3A_8, %get3A_9] : memref<256x768xf32, #tpu.memory_space<vmem>>, vector<256x768xf32>
    %convert_element_type3A_11 = arith.truncf %select_n3A : vector<256x2048xf32> to vector<256x2048xbf16>
    %get3A_12 = arith.constant 0 : index
    %get3A_13 = arith.constant 0 : index
    %get3A_14 = vector.load %arg4[%get3A_12, %get3A_13] : memref<2048x768xf32, #tpu.memory_space<vmem>>, vector<2048x768xf32>
    %convert_element_type3A_15 = arith.truncf %get3A_14 : vector<2048x768xf32> to vector<2048x768xbf16>
    %dot_general3A = arith.constant dense<0.000000e+00> : vector<256x768xf32>
    %dot_general3A_16 = tpu.matmul %convert_element_type3A_11, %convert_element_type3A_15, %dot_general3A {dimension_numbers = #tpu.dot_dimension_numbers<[1], [0], [0], [1], [0, 0, 1, 1], [], []>, transpose_lhs_hint = false} : vector<256x2048xbf16>, vector<2048x768xbf16>, vector<256x768xf32> -> vector<256x768xf32>
    %add3A = arith.addf %get3A_10, %dot_general3A_16 : vector<256x768xf32>
    %swap3A = arith.constant 0 : index
    %swap3A_17 = arith.constant 0 : index
    %swap3A_18 = vector.load %arg6[%swap3A, %swap3A_17] : memref<256x768xf32, #tpu.memory_space<vmem>>, vector<256x768xf32>
    tpu.vector_store %arg6[%swap3A, %swap3A_17], %add3A {strides = array<i32>} : memref<256x768xf32, #tpu.memory_space<vmem>>, vector<256x768xf32>,
    return
  }
  func.func @transform_0(%arg0: i32, %arg1: i32) -> (i32, i32) {
    %c0_i32 = arith.constant 0 : i32
    return %arg0, %arg1 : i32, i32
  }
  func.func @transform_1(%arg0: i32, %arg1: i32) -> (i32, i32) {
    %c0_i32 = arith.constant 0 : i32
    %c0_i32_0 = arith.constant 0 : i32
    return %arg0, %c0_i32 : i32, i32
  }
  func.func @transform_2(%arg0: i32, %arg1: i32) -> (i32, i32) {
    %c0_i32 = arith.constant 0 : i32
    %c0_i32_0 = arith.constant 0 : i32
    return %arg1, %c0_i32 : i32, i32
  }
  func.func @transform_3(%arg0: i32, %arg1: i32) -> (i32, i32) {
    %c0_i32 = arith.constant 0 : i32
    %c0_i32_0 = arith.constant 0 : i32
    %c0_i32_1 = arith.constant 0 : i32
    return %c0_i32, %c0_i32_0 : i32, i32
  }
  func.func @transform_4(%arg0: i32, %arg1: i32) -> (i32, i32) {
    %c0_i32 = arith.constant 0 : i32
    %c0_i32_0 = arith.constant 0 : i32
    return %arg0, %c0_i32 : i32, i32
  }
}

</mosaic_0001>

<sc_bundles>
// kernel: kernel.6.cloned.1.call-start
scs
__scs_entry_jumppad:
0x0: {  	(pc) =	sbr.rel $0x88, $3  }
0x1: {  	(tag) =	ssettag $0x0;
	lr =	simm.s32 $0x1  }
0x2: {  	[smem:$0x3F9C] =	sst lr;
	_ =	strace $0xD0000000  }
0x3: {  	_ = 	snop  }
0x4: {  	_ = 	snop  }
0x5: {  	_ = 	snop  }
0x6: {  	_ = 	snop  }
0x7: {  	_ = 	snop  }
__scs_overlays_trampoline_lowered:
0x8: {  	[smem:$0x3FAB] =	sst s0  }
0x9: {  	[smem:$0x3FAC] =	sst s1  }
0xa: {  	[smem:$0x3FAD] =	sst s2  }
0xb: {  	[smem:$0x3FAE] =	sst s3  }
0xc: {  	[smem:$0x3FAF] =	sst s4  }
0xd: {  	[smem:$0x3FB0] =	sst s5  }
0xe: {  	[smem:$0x3FB1] =	sst s6  }
0xf: {  	[smem:$0x3FB2] =	sst s7  }
0x10: {  	[smem:$0x3FB3] =	sst s8  }
0x11: {  	[smem:$0x3FB4] =	sst s9;
	s0 =	simm.s32 @!p0 $0x0  }
0x12: {  	s1 =	sld [smem:$0x3F9A];
	s0 =	simm.s32 @p0 $0x1  }
0x13: {  	[smem:$0x3FB5] =	sst s0;
	s0 =	simm.s32 @!p1 $0x0  }
0x14: {  	s2 =	sld [smem:$0x3F99];
	s0 =	simm.s32 @p1 $0x1  }
0x15: {  	[smem:$0x3FB6] =	sst s0;
	s0 =	simm.s32 @!p2 $0x0  }
0x16: {  	s3 =	sld [smem:$0x3FDB];
	s0 =	simm.s32 @p2 $0x1  }
0x17: {  	s4 =	simm.s32 $0x1BF5;
	[smem:$0x3FB8] =	sst s0  }
0x18: {  	s0 =	sld [smem:$0x3F9B];
	_ =	swait.ge [sflag:s4], $0x0  }
0x19: {  	s7 =	sld [smem:$0x3F9C]  }
0x1a: {  	s8 =	sadd.s32 $0xFFFFE003, lr  }
0x1b: {  	s9 =	sadd.s32 $0xFFFFFEF7, lr;
	s5 =	simm.s32 $0xFFFFFFFF;
	p2 =	slt.u32 s8, $0xFFFFF086  }
0x1c: {  	p1 =	slt.u32 s9, $0xF7A;
	s5 =	simm.s32 @!p2 $0x0  }
0x1d: {  	s5 =	simm.s32 @p1 $0x1;
	p0 =	seq.s32 s7, s2  }
0x1e: {  	s7 =	smul.u32 @!p0 $0xF7A, s2;
	p2 =	seq.s32 @!p0 s5, $0x0  }
0x1f: {  	s9 =	smul.u32 $0xF7A, s1;
	s8 =	simm.s32 @!p0 $0x1BF5;
	p2 =	por !p2, p0  }
0x20: {  	[sflag:s8] =	ssyncset.s32 @!p0 $0xFFFFF086;
	s6 =	sadd.s32 @!p0 s3, s7;
	s7 =	simm.s32 @!p0 $0x108  }
0x21: {  	s3 =	sadd.s32 s3, s9;
	s6 =	sadd.s32 @!p0 $0x88, s6;
	s7 =	simm.s32 @p2 $0x1082  }
0x22: {  	[simem:s7], [sflag:s8] =	dma.local @!p0 [hbm:s6], $0xF7A  }
0x23: {  	s9 =	sor.u32 $0xD0000000, s2;
	s6 =	simm.s32 $0x108;
	_ =	swait.ge @!p0 [sflag:s8], $0x0  }
0x24: {  	s3 =	sadd.s32 $0x88, s3;
	s6 =	simm.s32 @!p1 $0x1082;
	[sflag:s4] =	ssyncset.s32 $0xFFFFF086  }
0x25: {  	[simem:s6], [sflag:s4] =	dma.local [hbm:s3], $0xF7A  }
0x26: {  	[smem:$0x3F9C] =	sst s1;
	(tag) =	ssettag s2;
	_ =	strace s9  }
0x27: {  	s1 =	sld [smem:$0x3FAC]  }
0x28: {  	s2 =	sld [smem:$0x3FAD]  }
0x29: {  	s4 =	sld [smem:$0x3FAF]  }
0x2a: {  	p0 =	seq.s32 s5, $0x0;
	s5 =	sld [smem:$0x3FB0]  }
0x2b: {  	s6 =	sld [smem:$0x3FB1]  }
0x2c: {  	s7 =	sld [smem:$0x3FB2]  }
0x2d: {  	s3 =	simm.s32 $0x108;
	s8 =	sld [smem:$0x3FB3]  }
0x2e: {  	s3 =	simm.s32 @!p0 $0x1082;
	s9 =	sld [smem:$0x3FB4]  }
0x2f: {  	lr =	sadd.s32 s0, s3;
	s0 =	sld [smem:$0x3FAB]  }
0x30: {  	s3 =	sld [smem:$0x3FAE]  }
0x31: {  	[smem:$0x3FB7] =	sst s10  }
0x32: {  	s10 =	sld [smem:$0x3FB5];
	_ =	sdelay $0x3  }
0x33: {  	p0 =	seq.s32 s10, $0x1;
	s10 =	sld [smem:$0x3FB7];
	_ =	sdelay $0x3  }
0x34: {  	[smem:$0x3FB7] =	sst s10  }
0x35: {  	s10 =	sld [smem:$0x3FB6];
	_ =	sdelay $0x3  }
0x36: {  	p1 =	seq.s32 s10, $0x1;
	s10 =	sld [smem:$0x3FB7];
	_ =	sdelay $0x3  }
0x37: {  	[smem:$0x3FB7] =	sst s10  }
0x38: {  	s10 =	sld [smem:$0x3FB8]  }
0x39: {  	_ = 	snop;
	(pc) =	sbr.ind lr, $3  }
0x3a: {  	_ = 	snop  }
0x3b: {  	_ = 	snop  }
0x3c: {  	p2 =	seq.s32 s10, $0x1;
	s10 =	sld [smem:$0x3FB7]  }
0x3d: {  	_ =	shalt  }
0x3e: {  	_ =	shalt  }
0x3f: {  	_ =	shalt  }
0x40: {  	_ =	shalt  }
0x41: {  	_ =	shalt  }
0x42: {  	_ =	shalt  }
0x43: {  	_ =	shalt  }
0x44: {  	_ =	shalt  }
0x45: {  	_ =	shalt  }
0x46: {  	_ =	shalt  }
0x47: {  	_ =	shalt  }
0x48: {  	_ =	shalt  }
0x49: {  	_ =	shalt  }
0x4a: {  	_ =	shalt  }
0x4b: {  	_ =	shalt  }
0x4c: {  	_ =	shalt  }
0x4d: {  	_ =	shalt  }
0x4e: {  	_ =	shalt  }
0x4f: {  	_ =	shalt  }
0x50: {  	_ =	shalt  }
0x51: {  	_ =	shalt  }
0x52: {  	_ =	shalt  }
0x53: {  	_ =	shalt  }
0x54: {  	_ =	shalt  }
0x55: {  	_ =	shalt  }
0x56: {  	_ =	shalt  }
0x57: {  	_ =	shalt  }
0x58: {  	_ =	shalt  }
0x59: {  	_ =	shalt  }
0x5a: {  	_ =	shalt  }
0x5b: {  	_ =	shalt  }
0x5c: {  	_ =	shalt  }
0x5d: {  	_ =	shalt  }
0x5e: {  	_ =	shalt  }
0x5f: {  	_ =	shalt  }
0x60: {  	_ =	shalt  }
0x61: {  	_ =	shalt  }
0x62: {  	_ =	shalt  }
0x63: {  	_ =	shalt  }
0x64: {  	_ =	shalt  }
0x65: {  	_ =	shalt  }
0x66: {  	_ =	shalt  }
0x67: {  	_ =	shalt  }
0x68: {  	_ =	shalt  }
0x69: {  	_ =	shalt  }
0x6a: {  	_ =	shalt  }
0x6b: {  	_ =	shalt  }
0x6c: {  	_ =	shalt  }
0x6d: {  	_ =	shalt  }
0x6e: {  	_ =	shalt  }
0x6f: {  	_ =	shalt  }
0x70: {  	_ =	shalt  }
0x71: {  	_ =	shalt  }
0x72: {  	_ =	shalt  }
0x73: {  	_ =	shalt  }
0x74: {  	_ =	shalt  }
0x75: {  	_ =	shalt  }
0x76: {  	_ =	shalt  }
0x77: {  	_ =	shalt  }
0x78: {  	_ =	shalt  }
0x79: {  	_ =	shalt  }
0x7a: {  	_ =	shalt  }
0x7b: {  	_ =	shalt  }
0x7c: {  	_ =	shalt  }
0x7d: {  	_ =	shalt  }
0x7e: {  	_ =	shalt  }
0x7f: {  	_ =	shalt  }
0x80: {  	_ =	shalt  }
0x81: {  	_ =	shalt  }
0x82: {  	_ =	shalt  }
0x83: {  	_ =	shalt  }
0x84: {  	_ =	shalt  }
0x85: {  	_ =	shalt  }
0x86: {  	_ =	shalt  }
0x87: {  	_ =	shalt  }
.Lfunc_end0:
.L_simem_size_0:
called_computation_lowered:
.L_overlay_start_0:
0x88: {  	s2 =	sld [smem:$0x3FD9]  }
0x89: {  	s3 =	sld [smem:$0x3FFE];
	_ =	sdelay $0x1  }
0x8a: {  	s1 =	srdreg.scid  }
0x8b: {  	s0 =	sand.u32 $0x1, s1  }
0x8c: {  	s17 =	sshll.u32 s0, $0xA;
	s2 =	sadd.s32 s3, s2  }
0x8d: {  	s2 =	sadd.s32 s2, s17  }
0x8e: {  	[smem:$0x3FC3] =	sst s2  }
0x8f: {  	_ = 	snop  }
0x90: {  	s2 =	sld [smem:$0x3FD0];
	(tm) =	ssettm $0x1  }
0x91: {  	s18 =	sld [smem:$0x3FFB];
	_ =	sdelay $0x3  }
0x92: {  	_ =	strace s18  }
0x93: {  	s3 =	sld [smem:$0x3FFC];
	_ =	sdelay $0x3  }
0x94: {  	_ =	strace s3  }
0x95: {  	s3 =	sld [smem:$0x3FFD];
	_ =	sdelay $0x3  }
0x96: {  	_ =	strace s3  }
0x97: {  	_ =	strace $0x8FFFFFFF  }
0x98: {  	s19 =	sld [smem:$0x3FDB];
	_ =	sdelay $0x1  }
0x99: {  	s4 =	simm.s32 $_scs_section_size  }
0x9a: {  	s5 =	simm.s32 $_size__tile_overlayer_lowered;
	s6 =	simm.s32 $_tile_overlayer_lowered  }
0x9b: {  	s22 =	simm.s32 $0x1BFF;
	s21 =	sshll.u32 s6, $0x1;
	s3 =	sadd.s32 s4, s19  }
0x9c: {  	s7 =	simm.s32 $0x0;
	s20 =	sshll.u32 s5, $0x1;
	s5 =	sadd.s32 s21, s3  }
0x9d: {  	[timem:s7], [sflag:s22] =	dma.local [hbm:s5], s20  }
0x9e: {  	_ =	swait.ge [sflag:s22], s20  }
0x9f: {  	s4 =	ssub.s32 $0x0, s20;
	[sflag:s22] =	ssyncset.done $0x0  }
0xa0: {  	[sflag:s22] =	ssyncadd.s32 s4;
	_ =	sdelay $0x1  }
0xa1: {  	s23 =	simm.s32 $0x1B8B  }
0xa2: {  	_ =	swait.ge [sflag:s23], $0x1  }
0xa3: {  	[sflag:s23] =	ssyncset.done $0x0  }
0xa4: {  	s25 =	simm.s32 $0x1B8E;
	s24 =	sld [smem:$0x3FFE];
	[sflag:s23] =	ssyncadd.s32 $0xFFFFFFFF  }
0xa5: {  	s26 =	simm.s32 $execute0_lowered;
	[smem:$0x3FD2] =	sst s25  }
0xa6: {  	s5 =	sshll.u32 s26, $0x1;
	_ =	strace $0x80000046;
	[dreg:$0x1] =	wrdreg $0xFFFFFFFF  }
0xa7: {  	s28 =	simm.s32 $_size_execute0_lowered;
	s3 =	sadd.s32 s3, s5;
	[dreg:$0x0] =	wrdreg $0x0  }
0xa8: {  	s5 =	sshll.u32 s28, $0x1;
	[dreg:$0x2] =	wrdreg s3  }
0xa9: {  	[dreg:$0x3] =	wrdreg s5  }
0xaa: {  	[dreg:$0x4] =	wrdreg $0xC0  }
0xab: {  	_ =	task [dreg:s7], $0x5FFFF  }
0xac: {  	[dreg:$0x1] =	wrdreg $0xFFFFFFFF  }
0xad: {  	[dreg:$0x0] =	wrdreg $0x60  }
0xae: {  	[dreg:$0x2] =	wrdreg s24  }
0xaf: {  	[dreg:$0x3] =	wrdreg s2  }
0xb0: {  	[dreg:$0x4] =	wrdreg $0x9  }
0xb1: {  	_ =	task.clear_ibuf [dreg:s7], $0x5FFFF;
	_ =	strace $0x90000046  }
0xb2: {  	s29 =	simm.s32 $0x9;
	_ =	strace $0x80000048  }
0xb3: {  	_ =	swait.ge [sflag:s29], $0x1  }
0xb4: {  	[sflag:s29] =	ssyncadd.s32 $0xFFFFFFFF  }
0xb5: {  	_ =	strace $0x90000048  }
0xb6: {  	_ =	sfence  }
0xb7: {  	s30 =	sld [smem:$0x0];
	_ =	sdelay $0x2  }
0xb8: {  	s31 =	sshll.u32 s1, $0xD;
	s1 =	sshrl.u32 s1, $0x2  }
0xb9: {  	s3 =	sand.u32 $0x4000, s31;
	s1 =	sadd.s32 s1, s30  }
0xba: {  	s0 =	sor.u32 s3, s0;
	s1 =	sshll.u32 s1, $0x11  }
0xbb: {  	s0 =	sor.u32 s1, s0  }
0xbc: {  	s0 =	sadd.s32 $0x8F2B, s0  }
0xbd: {  	[sflag:s0] =	ssyncadd.remote.s32 $0x1  }
0xbe: {  	_ =	sfence.sel $0xFFFF  }
0xbf: {  	[dreg:$0x0] =	wrdreg $0xFFFFFFFF;
	(pc) =	sbr.abs _section_cstart, $3  }
0xc0: {  	[dreg:$0x1] =	wrdreg $0xFFFFFFFF  }
0xc1: {  	_ =	task.clear_ibuf [dreg:s7], $0x2FFFF;
	_ =	strace $0x9FFFFFFF  }
0xc2: {  	(tm) =	ssettm $0x7FFFFFFF  }
0xc3: {  	_ =	shalt  }
tec
execute0_lowered:
.L_overlay_start_1:
0x0: {  	(tag) =	ssettag $0x1  }
0x1: {  	s4 =	rddreg [dreg:$0x0]  }
0x2: {  	s5 =	rddreg [dreg:$0x1]  }
0x3: {  	s0 =	rddreg [dreg:$0x2];
	s3 =	srdreg.scid  }
0x4: {  	s2 =	simm.s32 $0x0;
	s1 =	stileid.u32;
	s11 =	simm.s32 $0x8180  }
0x5: {  	s12 =	simm.s32 $0x1;
	s13 =	simm.s32 $0x9980;
	[smem:$0x7FF] =	sst s2  }
0x6: {  	v0 =	vimm.f32 $-Inf;
	s14 =	simm.s32 $0xA600;
	s15 =	simm.s32 $0x2;
	_ =	strace $0x80000047  }
0x7: {  	s16 =	simm.s32 $0x0;
	s6 =	sand.u32 $0x1, s3;
	s31 =	sshll.u32 s1, $0x9;
	(xrf0) =	vmax.scan.msk.f32 $0xffff, v0  }
0x8: {  	s3 =	sadd.s32 $0xC20E00, s4;
	s7 =	sshll.u32 s6, $0x8;
	s6 =	ssub.s32 $0x2, s6  }
.Ltmp0:
0x9: {  	s7 =	sor.u32 s7, s31;
	s9 =	sshrl.u32 s6, $0x1;
	(pc) =	sbr.rel .LBB2_1-.Ltmp0, $4  }
0xa: {  	s8 =	sshrl.u32 s7, $0x3;
	s7 =	sshll.u32 s7, $0x4;
	s9 =	ssub.s32 s6, s9  }
0xb: {  	s8 =	sadd.s32 s8, s4;
	s10 =	sadd.s32 s7, s4;
	s4 =	sadd.s32 s5, s7  }
0xc: {  	s7 =	smax.u32 s9, $0x1;
	s9 =	simm.s32 $0x8000;
	s5 =	sadd.s32 $0x1820E00, s8  }
0xd: {  	v2 =	vimm.s32 $0x0;
	s6 =	sadd.s32 $0xC00E00, s10;
	s8 =	simm.s32 $0x3;
	s10 =	simm.s32 $0x18;
	v1, _, _ =	vpop (xrf0)  }
.LBB2_23:
0xe: {  	s16 =	sadd.s32 $0x1, s16  }
0xf: {  	p0 =	sne.s32 s16, s7  }
.Ltmp1:
0x10: {  	_ = 	snop;
	(pc) =	sbr.rel @!p0 .LBB2_24-.Ltmp1, $4  }
0x11: {  	[hbm4b:s6+s2] =	stream.linear.scatter [tilespmem:s14], [sflag:$0x3], $0x8000, $0x38;
	[tilespmem:$0x12600] =	vst v63  }
0x12: {  	_ =	swait.ge [sflag:s8], $0x8000  }
0x13: {  	[sflag:s8] =	ssyncset.done $0x0  }
0x14: {  	[sflag:s8] =	ssyncadd.s32 $0xFFFF8000  }
.LBB2_1:
0x15: {  	[tilespmem:s2], [sflag:$0x3] =	stream.linear.gather [hbm4b:s4+s2], $0x8000, $0x38;
	[tilespmem:$0x12600] =	vst v63  }
0x16: {  	_ =	swait.ge [sflag:s8], $0x8000  }
0x17: {  	[sflag:s8] =	ssyncset.done $0x0  }
0x18: {  	[sflag:s8] =	ssyncadd.s32 $0xFFFF8000  }
0x19: {  	[tilespmem:s9], [sflag:$0x3] =	stream.linear.gather [hbm4b:s5+s2], $0x100, $0x38;
	[tilespmem:$0x12600] =	vst v63  }
.Ltmp2:
0x1a: {  	_ = 	snop;
	(pc) =	sbr.rel .LBB2_2-.Ltmp2, $4  }
0x1b: {  	_ =	swait.ge [sflag:s8], $0x100  }
0x1c: {  	[sflag:s8] =	ssyncset.done $0x0  }
0x1d: {  	s17 =	simm.s32 $0x0;
	[sflag:s8] =	ssyncadd.s32 $0xFFFFFF00  }
0x1e: {  	[tilespmem:s11], [sflag:$0x1] =	stream.indirect.gather [hbm4b:s3+s10], $0x80, s2, s10, $0xb8;
	[tilespmem:$0x12600] =	vst v63  }
.LBB2_18:
0x1f: {  	(v2sf) =	vpush v3, $0xF;
	_ =	sdelay $0xe  }
0x20: {  	s19 =	spop (v2sf)  }
.LBB2_22:
0x21: {  	p0 =	sne.s32 s18, $0x100  }
.Ltmp3:
0x22: {  	_ = 	snop;
	(pc) =	sbr.rel @!p0 .LBB2_23-.Ltmp3, $4  }
0x23: {  	_ = 	snop  }
0x24: {  	s17 =	sshll.u32 s17, $0x7  }
0x25: {  	v3 =	vmov s19;
	s17 =	sand.u32 $0x3FFFFF80, s17  }
0x26: {  	[tilespmem:s17+$0xA600] =	vst v3;
	s17 =	smov.u32 s18  }
.LBB2_2:
0x27: {  	s19 =	sand.u32 $0x1, s17  }
0x28: {  	s18 =	sadd.s32 $0x1, s17;
	p0 =	seq.s32 s19, $0x1  }
0x29: {  	p1 =	seq.s32 s17, $0xFF;
	s20 =	sshll.u32 @!p0 s18, $0x7  }
0x2a: {  	s21 =	simm.s32 @!p0 $0x18;
	s22 =	simm.s32 @!p0 $0x8D80;
	s20 =	sand.u32 @!p0 $0x3FFFFF80, s20  }
0x2b: {  	[tilespmem:s22], [sflag:$0x2] =	stream.indirect.gather @!p0 [hbm4b:s3+s21], $0x80, s20, s21, $0xb8;
	[tilespmem:$0x12600] =	vst v63  }
0x2c: {  	p0 =	por !p0, p1  }
0x2d: {  	s20 =	sshll.u32 @!p0 s18, $0x7  }
0x2e: {  	s21 =	simm.s32 @!p0 $0x18;
	s22 =	simm.s32 @!p0 $0x8180;
	s20 =	sand.u32 @!p0 $0x3FFFFF80, s20  }
0x2f: {  	[tilespmem:s22], [sflag:$0x1] =	stream.indirect.gather @!p0 [hbm4b:s3+s21], $0x80, s20, s21, $0xb8;
	[tilespmem:$0x12600] =	vst v63  }
0x30: {  	p0 =	sne.s32 s19, $0x0  }
.Ltmp4:
0x31: {  	_ = 	snop;
	(pc) =	sbr.rel @p0 .LBB2_6-.Ltmp4, $2  }
0x32: {  	_ =	sdelay $0x2  }
0x33: {  	v3 =	vld.msk [tilespmem:s17+$0x8000 ss:$0x0], $0xffff  }
0x34: {  	_ =	swait.ge [sflag:s12], $0xC00  }
0x35: {  	[sflag:s12] =	ssyncset.done $0x0  }
0x36: {  	s19 =	simm.s32 $0x0;
	[sflag:s12] =	ssyncadd.s32 $0xFFFFF400  }
0x37: {  	v4 =	vld [tilespmem:s19+$0x8180];
	_ =	sdelay $0x4  }
0x38: {  	vm0 =	vge.f32 v4, v3  }
0x39: {  	v5 =	vsel vm0, $0x1, v2  }
0x3a: {  	(xrf0) =	vadd.scan.msk.s32 $0xffff, v5;
	_ =	sdelay $0x1  }
0x3b: {  	s20 =	simm.s32 $0x0  }
0x3c: {  	v5 =	vmov s20  }
0x3d: {  	v5 =	vadd.s32 $0xFFFFFFFF, v5  }
0x3e: {  	v5 =	vbroadcast v5, $0x0  }
0x3f: {  	v6, _, _ =	vpop (xrf0)  }
0x40: {  	v5 =	vadd.s32 v6, v5;
	(v2sf) =	vpush v6, $0xF  }
0x41: {  	v5 =	vnsel vm0, $0xC10, v5;
	_ =	sdelay $0x4  }
0x42: {  	[tilespmem:v5+s13+$0x0] =	vst.idx.msk vm0, v4  }
0x43: {  	v4 =	vld [tilespmem:s19+$0x8190];
	_ =	sdelay $0x4  }
0x44: {  	vm0 =	vge.f32 v4, v3  }
0x45: {  	v5 =	vsel vm0, $0x1, v2  }
0x46: {  	(xrf0) =	vadd.scan.msk.s32 $0xffff, v5  }
0x47: {  	s25 =	spop (v2sf)  }
0x48: {  	s20 =	sadd.s32 $0x0, s25  }
0x49: {  	v5 =	vmov s20  }
0x4a: {  	v5 =	vadd.s32 $0xFFFFFFFF, v5  }
0x4b: {  	v5 =	vbroadcast v5, $0x0  }
0x4c: {  	v6, _, _ =	vpop (xrf0)  }
0x4d: {  	v5 =	vadd.s32 v6, v5;
	(v2sf) =	vpush v6, $0xF  }
0x4e: {  	v5 =	vnsel vm0, $0xC10, v5;
	_ =	sdelay $0x4  }
0x4f: {  	[tilespmem:v5+s13+$0x0] =	vst.idx.msk vm0, v4  }
0x50: {  	v4 =	vld [tilespmem:s19+$0x81A0];
	_ =	sdelay $0x4  }
0x51: {  	vm0 =	vge.f32 v4, v3  }
0x52: {  	v5 =	vsel vm0, $0x1, v2  }
0x53: {  	(xrf0) =	vadd.scan.msk.s32 $0xffff, v5  }
0x54: {  	s21 =	spop (v2sf)  }
0x55: {  	s20 =	sadd.s32 s20, s21  }
0x56: {  	v5 =	vmov s20  }
0x57: {  	v5 =	vadd.s32 $0xFFFFFFFF, v5  }
0x58: {  	v5 =	vbroadcast v5, $0x0  }
0x59: {  	v6, _, _ =	vpop (xrf0)  }
0x5a: {  	v5 =	vadd.s32 v6, v5;
	(v2sf) =	vpush v6, $0xF  }
0x5b: {  	v5 =	vnsel vm0, $0xC10, v5;
	_ =	sdelay $0x4  }
0x5c: {  	[tilespmem:v5+s13+$0x0] =	vst.idx.msk vm0, v4  }
0x5d: {  	v4 =	vld [tilespmem:s19+$0x81B0];
	_ =	sdelay $0x4  }
0x5e: {  	vm0 =	vge.f32 v4, v3  }
0x5f: {  	v5 =	vsel vm0, $0x1, v2  }
0x60: {  	(xrf0) =	vadd.scan.msk.s32 $0xffff, v5  }
0x61: {  	s26 =	spop (v2sf)  }
0x62: {  	s20 =	sadd.s32 s20, s26  }
0x63: {  	v5 =	vmov s20  }
0x64: {  	v5 =	vadd.s32 $0xFFFFFFFF, v5  }
0x65: {  	v5 =	vbroadcast v5, $0x0  }
0x66: {  	v6, _, _ =	vpop (xrf0)  }
0x67: {  	v5 =	vadd.s32 v6, v5;
	(v2sf) =	vpush v6, $0xF  }
0x68: {  	v5 =	vnsel vm0, $0xC10, v5;
	_ =	sdelay $0x4  }
0x69: {  	[tilespmem:v5+s13+$0x0] =	vst.idx.msk vm0, v4  }
0x6a: {  	v4 =	vld [tilespmem:s19+$0x81C0];
	_ =	sdelay $0x4  }
0x6b: {  	vm0 =	vge.f32 v4, v3  }
0x6c: {  	v5 =	vsel vm0, $0x1, v2  }
0x6d: {  	(xrf0) =	vadd.scan.msk.s32 $0xffff, v5  }
0x6e: {  	s28 =	spop (v2sf)  }
0x6f: {  	s20 =	sadd.s32 s20, s28  }
0x70: {  	v5 =	vmov s20  }
0x71: {  	v5 =	vadd.s32 $0xFFFFFFFF, v5  }
0x72: {  	v5 =	vbroadcast v5, $0x0  }
0x73: {  	v6, _, _ =	vpop (xrf0)  }
0x74: {  	v5 =	vadd.s32 v6, v5;
	(v2sf) =	vpush v6, $0xF  }
0x75: {  	v5 =	vnsel vm0, $0xC10, v5;
	_ =	sdelay $0x4  }
0x76: {  	[tilespmem:v5+s13+$0x0] =	vst.idx.msk vm0, v4  }
0x77: {  	v4 =	vld [tilespmem:s19+$0x81D0];
	_ =	sdelay $0x4  }
0x78: {  	vm0 =	vge.f32 v4, v3  }
0x79: {  	v5 =	vsel vm0, $0x1, v2  }
0x7a: {  	(xrf0) =	vadd.scan.msk.s32 $0xffff, v5  }
0x7b: {  	s29 =	spop (v2sf)  }
0x7c: {  	s20 =	sadd.s32 s20, s29  }
0x7d: {  	v5 =	vmov s20  }
0x7e: {  	v5 =	vadd.s32 $0xFFFFFFFF, v5  }
0x7f: {  	v5 =	vbroadcast v5, $0x0  }
0x80: {  	v6, _, _ =	vpop (xrf0)  }
0x81: {  	v5 =	vadd.s32 v6, v5;
	(v2sf) =	vpush v6, $0xF  }
0x82: {  	v5 =	vnsel vm0, $0xC10, v5;
	_ =	sdelay $0x4  }
0x83: {  	[tilespmem:v5+s13+$0x0] =	vst.idx.msk vm0, v4  }
0x84: {  	v4 =	vld [tilespmem:s19+$0x81E0];
	_ =	sdelay $0x4  }
0x85: {  	vm0 =	vge.f32 v4, v3  }
0x86: {  	v5 =	vsel vm0, $0x1, v2  }
0x87: {  	(xrf0) =	vadd.scan.msk.s32 $0xffff, v5  }
0x88: {  	s30 =	spop (v2sf)  }
0x89: {  	s20 =	sadd.s32 s20, s30  }
0x8a: {  	v5 =	vmov s20  }
0x8b: {  	v5 =	vadd.s32 $0xFFFFFFFF, v5  }
0x8c: {  	v5 =	vbroadcast v5, $0x0  }
0x8d: {  	v6, _, _ =	vpop (xrf0)  }
0x8e: {  	v5 =	vadd.s32 v6, v5  }
0x8f: {  	(v2sf) =	vpush v6, $0xF;
	v5 =	vnsel vm0, $0xC10, v5;
	_ =	sdelay $0x4  }
0x90: {  	[tilespmem:v5+s13+$0x0] =	vst.idx.msk vm0, v4  }
0x91: {  	v4 =	vld [tilespmem:s19+$0x81F0];
	_ =	sdelay $0x4  }
0x92: {  	vm0 =	vge.f32 v4, v3  }
0x93: {  	v5 =	vsel vm0, $0x1, v2  }
0x94: {  	(xrf0) =	vadd.scan.msk.s32 $0xffff, v5;
	_ =	sdelay $0x1  }
0x95: {  	s31 =	spop (v2sf)  }
0x96: {  	s22 =	sadd.s32 s20, s31  }
0x97: {  	v5 =	vmov s22  }
0x98: {  	v5 =	vadd.s32 $0xFFFFFFFF, v5  }
0x99: {  	v5 =	vbroadcast v5, $0x0;
	v6, _, _ =	vpop (xrf0)  }
0x9a: {  	(v2sf) =	vpush v6, $0xF  }
0x9b: {  	v5 =	vadd.s32 v6, v5  }
0x9c: {  	v5 =	vnsel vm0, $0xC10, v5;
	_ =	sdelay $0x4  }
0x9d: {  	s19 =	simm.s32 $0x80;
	[tilespmem:v5+s13+$0x0] =	vst.idx.msk vm0, v4  }
0x9e: {  	v4 =	vld [tilespmem:s19+$0x8180];
	_ =	sdelay $0x4  }
0x9f: {  	vm0 =	vge.f32 v4, v3  }
0xa0: {  	v5 =	vsel vm0, $0x1, v2  }
0xa1: {  	s20 =	simm.s32 $0x400;
	(xrf0) =	vadd.scan.msk.s32 $0xffff, v5;
	s21 =	spop (v2sf)  }
.LBB2_4:
0xa2: {  	p0 =	seq.s32 s20, $0x2E00  }
0xa3: {  	s22 =	sadd.s32 s22, s21;
	s21 =	smov.u32 s20;
	s20 =	sadd.s32 $0x200, s20  }
0xa4: {  	v5 =	vmov s22  }
0xa5: {  	v5 =	vadd.s32 $0xFFFFFFFF, v5  }
0xa6: {  	v5 =	vbroadcast v5, $0x0  }
0xa7: {  	v6, _, _ =	vpop (xrf0)  }
0xa8: {  	v5 =	vadd.s32 v6, v5;
	(v2sf) =	vpush v6, $0xF  }
0xa9: {  	v5 =	vnsel vm0, $0xC10, v5;
	_ =	sdelay $0x4  }
0xaa: {  	[tilespmem:v5+s13+$0x0] =	vst.idx.msk vm0, v4  }
0xab: {  	v4 =	vld [tilespmem:s19+$0x8190];
	_ =	sdelay $0x4  }
0xac: {  	vm0 =	vge.f32 v4, v3  }
0xad: {  	v5 =	vsel vm0, $0x1, v2  }
0xae: {  	(xrf0) =	vadd.scan.msk.s32 $0xffff, v5  }
0xaf: {  	s23 =	spop (v2sf)  }
0xb0: {  	s22 =	sadd.s32 s22, s23  }
0xb1: {  	v5 =	vmov s22  }
0xb2: {  	v5 =	vadd.s32 $0xFFFFFFFF, v5  }
0xb3: {  	v5 =	vbroadcast v5, $0x0  }
0xb4: {  	v6, _, _ =	vpop (xrf0)  }
0xb5: {  	v5 =	vadd.s32 v6, v5;
	(v2sf) =	vpush v6, $0xF  }
0xb6: {  	v5 =	vnsel vm0, $0xC10, v5;
	_ =	sdelay $0x4  }
0xb7: {  	[tilespmem:v5+s13+$0x0] =	vst.idx.msk vm0, v4  }
0xb8: {  	v4 =	vld [tilespmem:s19+$0x81A0];
	_ =	sdelay $0x4  }
0xb9: {  	vm0 =	vge.f32 v4, v3  }
0xba: {  	v5 =	vsel vm0, $0x1, v2  }
0xbb: {  	(xrf0) =	vadd.scan.msk.s32 $0xffff, v5  }
0xbc: {  	s23 =	spop (v2sf)  }
0xbd: {  	s22 =	sadd.s32 s22, s23  }
0xbe: {  	v5 =	vmov s22  }
0xbf: {  	v5 =	vadd.s32 $0xFFFFFFFF, v5  }
0xc0: {  	v5 =	vbroadcast v5, $0x0  }
0xc1: {  	v6, _, _ =	vpop (xrf0)  }
0xc2: {  	v5 =	vadd.s32 v6, v5;
	(v2sf) =	vpush v6, $0xF  }
0xc3: {  	v5 =	vnsel vm0, $0xC10, v5;
	_ =	sdelay $0x4  }
0xc4: {  	[tilespmem:v5+s13+$0x0] =	vst.idx.msk vm0, v4  }
0xc5: {  	v4 =	vld [tilespmem:s19+$0x81B0];
	_ =	sdelay $0x4  }
0xc6: {  	vm0 =	vge.f32 v4, v3  }
0xc7: {  	v5 =	vsel vm0, $0x1, v2  }
0xc8: {  	(xrf0) =	vadd.scan.msk.s32 $0xffff, v5  }
0xc9: {  	s23 =	spop (v2sf)  }
0xca: {  	s22 =	sadd.s32 s22, s23  }
0xcb: {  	v5 =	vmov s22  }
0xcc: {  	v5 =	vadd.s32 $0xFFFFFFFF, v5  }
0xcd: {  	v5 =	vbroadcast v5, $0x0  }
0xce: {  	v6, _, _ =	vpop (xrf0)  }
0xcf: {  	v5 =	vadd.s32 v6, v5;
	(v2sf) =	vpush v6, $0xF  }
0xd0: {  	v5 =	vnsel vm0, $0xC10, v5;
	_ =	sdelay $0x4  }
0xd1: {  	[tilespmem:v5+s13+$0x0] =	vst.idx.msk vm0, v4  }
0xd2: {  	v4 =	vld [tilespmem:s19+$0x81C0];
	_ =	sdelay $0x4  }
0xd3: {  	vm0 =	vge.f32 v4, v3  }
0xd4: {  	v5 =	vsel vm0, $0x1, v2  }
0xd5: {  	(xrf0) =	vadd.scan.msk.s32 $0xffff, v5  }
0xd6: {  	s23 =	spop (v2sf)  }
0xd7: {  	s22 =	sadd.s32 s22, s23  }
0xd8: {  	v5 =	vmov s22  }
0xd9: {  	v5 =	vadd.s32 $0xFFFFFFFF, v5  }
0xda: {  	v5 =	vbroadcast v5, $0x0  }
0xdb: {  	v6, _, _ =	vpop (xrf0)  }
0xdc: {  	v5 =	vadd.s32 v6, v5;
	(v2sf) =	vpush v6, $0xF  }
0xdd: {  	v5 =	vnsel vm0, $0xC10, v5;
	_ =	sdelay $0x4  }
0xde: {  	[tilespmem:v5+s13+$0x0] =	vst.idx.msk vm0, v4  }
0xdf: {  	v4 =	vld [tilespmem:s19+$0x81D0];
	_ =	sdelay $0x4  }
0xe0: {  	vm0 =	vge.f32 v4, v3  }
0xe1: {  	v5 =	vsel vm0, $0x1, v2  }
0xe2: {  	(xrf0) =	vadd.scan.msk.s32 $0xffff, v5  }
0xe3: {  	s23 =	spop (v2sf)  }
0xe4: {  	s22 =	sadd.s32 s22, s23  }
0xe5: {  	v5 =	vmov s22  }
0xe6: {  	v5 =	vadd.s32 $0xFFFFFFFF, v5  }
0xe7: {  	v5 =	vbroadcast v5, $0x0  }
0xe8: {  	v6, _, _ =	vpop (xrf0)  }
0xe9: {  	v5 =	vadd.s32 v6, v5;
	(v2sf) =	vpush v6, $0xF  }
0xea: {  	v5 =	vnsel vm0, $0xC10, v5;
	_ =	sdelay $0x4  }
0xeb: {  	[tilespmem:v5+s13+$0x0] =	vst.idx.msk vm0, v4  }
0xec: {  	v4 =	vld [tilespmem:s19+$0x81E0];
	_ =	sdelay $0x4  }
0xed: {  	vm0 =	vge.f32 v4, v3  }
0xee: {  	v5 =	vsel vm0, $0x1, v2  }
0xef: {  	(xrf0) =	vadd.scan.msk.s32 $0xffff, v5  }
0xf0: {  	s23 =	spop (v2sf)  }
0xf1: {  	s22 =	sadd.s32 s22, s23  }
0xf2: {  	v5 =	vmov s22  }
0xf3: {  	v5 =	vadd.s32 $0xFFFFFFFF, v5  }
0xf4: {  	v5 =	vbroadcast v5, $0x0  }
0xf5: {  	v6, _, _ =	vpop (xrf0)  }
0xf6: {  	v5 =	vadd.s32 v6, v5;
	(v2sf) =	vpush v6, $0xF  }
0xf7: {  	v5 =	vnsel vm0, $0xC10, v5;
	_ =	sdelay $0x4  }
0xf8: {  	[tilespmem:v5+s13+$0x0] =	vst.idx.msk vm0, v4  }
0xf9: {  	v4 =	vld [tilespmem:s19+$0x81F0];
	_ =	sdelay $0x4  }
0xfa: {  	vm0 =	vge.f32 v4, v3  }
0xfb: {  	v5 =	vsel vm0, $0x1, v2  }
0xfc: {  	(xrf0) =	vadd.scan.msk.s32 $0xffff, v5  }
0xfd: {  	s19 =	spop (v2sf)  }
0xfe: {  	s22 =	sadd.s32 s22, s19  }
0xff: {  	v5 =	vmov s22  }
0x100: {  	v5 =	vadd.s32 $0xFFFFFFFF, v5  }
0x101: {  	v5 =	vbroadcast v5, $0x0  }
0x102: {  	v6, _, _ =	vpop (xrf0)  }
0x103: {  	v5 =	vadd.s32 v6, v5;
	(v2sf) =	vpush v6, $0xF  }
0x104: {  	v5 =	vnsel vm0, $0xC10, v5;
	_ =	sdelay $0x4  }
0x105: {  	s19 =	sshra.s32 s21, $0x2;
	[tilespmem:v5+s13+$0x0] =	vst.idx.msk vm0, v4  }
0x106: {  	v4 =	vld [tilespmem:s19+$0x8180];
	_ =	sdelay $0x3  }
.Ltmp5:
0x107: {  	(pc) =	sbr.rel @!p0 .LBB2_4-.Ltmp5, $4  }
0x108: {  	vm0 =	vge.f32 v4, v3  }
0x109: {  	v5 =	vsel vm0, $0x1, v2  }
0x10a: {  	(xrf0) =	vadd.scan.msk.s32 $0xffff, v5  }
0x10b: {  	s21 =	spop (v2sf)  }
0x10c: {  	s20 =	sadd.s32 s22, s21  }
0x10d: {  	v5 =	vmov s20  }
0x10e: {  	v5 =	vadd.s32 $0xFFFFFFFF, v5  }
0x10f: {  	v5 =	vbroadcast v5, $0x0  }
0x110: {  	v6, _, _ =	vpop (xrf0)  }
0x111: {  	v5 =	vadd.s32 v6, v5;
	(v2sf) =	vpush v6, $0xF  }
0x112: {  	v5 =	vnsel vm0, $0xC10, v5;
	_ =	sdelay $0x4  }
0x113: {  	[tilespmem:v5+s13+$0x0] =	vst.idx.msk vm0, v4  }
0x114: {  	v4 =	vld [tilespmem:s19+$0x8190];
	_ =	sdelay $0x4  }
0x115: {  	vm9 =	vge.f32 v4, v3  }
0x116: {  	v45 =	vsel vm9, $0x1, v2  }
0x117: {  	(xrf0) =	vadd.scan.msk.s32 $0xffff, v45  }
0x118: {  	s23 =	spop (v2sf)  }
0x119: {  	s20 =	sadd.s32 s20, s23  }
0x11a: {  	v46 =	vmov s20  }
0x11b: {  	v5 =	vadd.s32 $0xFFFFFFFF, v46  }
0x11c: {  	v5 =	vbroadcast v5, $0x0  }
0x11d: {  	v47, _, _ =	vpop (xrf0)  }
0x11e: {  	v5 =	vadd.s32 v47, v5;
	(v2sf) =	vpush v47, $0xF  }
0x11f: {  	v5 =	vnsel vm9, $0xC10, v5;
	_ =	sdelay $0x4  }
0x120: {  	[tilespmem:v5+s13+$0x0] =	vst.idx.msk vm9, v4  }
0x121: {  	v4 =	vld [tilespmem:s19+$0x81A0];
	_ =	sdelay $0x4  }
0x122: {  	vm10 =	vge.f32 v4, v3  }
0x123: {  	v48 =	vsel vm10, $0x1, v2  }
0x124: {  	(xrf0) =	vadd.scan.msk.s32 $0xffff, v48  }
0x125: {  	s24 =	spop (v2sf)  }
0x126: {  	s20 =	sadd.s32 s20, s24  }
0x127: {  	v49 =	vmov s20  }
0x128: {  	v5 =	vadd.s32 $0xFFFFFFFF, v49  }
0x129: {  	v5 =	vbroadcast v5, $0x0  }
0x12a: {  	v50, _, _ =	vpop (xrf0)  }
0x12b: {  	v5 =	vadd.s32 v50, v5;
	(v2sf) =	vpush v50, $0xF  }
0x12c: {  	v5 =	vnsel vm10, $0xC10, v5;
	_ =	sdelay $0x4  }
0x12d: {  	[tilespmem:v5+s13+$0x0] =	vst.idx.msk vm10, v4  }
0x12e: {  	v4 =	vld [tilespmem:s19+$0x81B0];
	_ =	sdelay $0x4  }
0x12f: {  	vm11 =	vge.f32 v4, v3  }
0x130: {  	v51 =	vsel vm11, $0x1, v2  }
0x131: {  	(xrf0) =	vadd.scan.msk.s32 $0xffff, v51  }
0x132: {  	s25 =	spop (v2sf)  }
0x133: {  	s20 =	sadd.s32 s20, s25  }
0x134: {  	v52 =	vmov s20  }
0x135: {  	v5 =	vadd.s32 $0xFFFFFFFF, v52  }
0x136: {  	v5 =	vbroadcast v5, $0x0  }
0x137: {  	v53, _, _ =	vpop (xrf0)  }
0x138: {  	v5 =	vadd.s32 v53, v5;
	(v2sf) =	vpush v53, $0xF  }
0x139: {  	v5 =	vnsel vm11, $0xC10, v5;
	_ =	sdelay $0x4  }
0x13a: {  	[tilespmem:v5+s13+$0x0] =	vst.idx.msk vm11, v4  }
0x13b: {  	v4 =	vld [tilespmem:s19+$0x81C0];
	_ =	sdelay $0x4  }
0x13c: {  	vm12 =	vge.f32 v4, v3  }
0x13d: {  	v54 =	vsel vm12, $0x1, v2  }
0x13e: {  	(xrf0) =	vadd.scan.msk.s32 $0xffff, v54  }
0x13f: {  	s26 =	spop (v2sf)  }
0x140: {  	s20 =	sadd.s32 s20, s26  }
0x141: {  	v55 =	vmov s20  }
0x142: {  	v5 =	vadd.s32 $0xFFFFFFFF, v55  }
0x143: {  	v5 =	vbroadcast v5, $0x0  }
0x144: {  	v56, _, _ =	vpop (xrf0)  }
0x145: {  	v5 =	vadd.s32 v56, v5;
	(v2sf) =	vpush v56, $0xF  }
0x146: {  	v5 =	vnsel vm12, $0xC10, v5;
	_ =	sdelay $0x4  }
0x147: {  	[tilespmem:v5+s13+$0x0] =	vst.idx.msk vm12, v4  }
0x148: {  	v4 =	vld [tilespmem:s19+$0x81D0];
	_ =	sdelay $0x4  }
0x149: {  	vm13 =	vge.f32 v4, v3  }
0x14a: {  	v57 =	vsel vm13, $0x1, v2  }
0x14b: {  	(xrf0) =	vadd.scan.msk.s32 $0xffff, v57  }
0x14c: {  	s28 =	spop (v2sf)  }
0x14d: {  	s20 =	sadd.s32 s20, s28  }
0x14e: {  	v58 =	vmov s20  }
0x14f: {  	v5 =	vadd.s32 $0xFFFFFFFF, v58  }
0x150: {  	v5 =	vbroadcast v5, $0x0  }
0x151: {  	v59, _, _ =	vpop (xrf0)  }
0x152: {  	v5 =	vadd.s32 v59, v5;
	(v2sf) =	vpush v59, $0xF  }
0x153: {  	v5 =	vnsel vm13, $0xC10, v5;
	_ =	sdelay $0x4  }
0x154: {  	[tilespmem:v5+s13+$0x0] =	vst.idx.msk vm13, v4  }
0x155: {  	v4 =	vld [tilespmem:s19+$0x81E0];
	_ =	sdelay $0x4  }
0x156: {  	vm14 =	vge.f32 v4, v3  }
0x157: {  	v60 =	vsel vm14, $0x1, v2  }
0x158: {  	(xrf0) =	vadd.scan.msk.s32 $0xffff, v60  }
0x159: {  	s29 =	spop (v2sf)  }
0x15a: {  	s20 =	sadd.s32 s20, s29  }
0x15b: {  	v61 =	vmov s20  }
0x15c: {  	v5 =	vadd.s32 $0xFFFFFFFF, v61  }
0x15d: {  	v5 =	vbroadcast v5, $0x0  }
0x15e: {  	v62, _, _ =	vpop (xrf0)  }
0x15f: {  	v5 =	vadd.s32 v62, v5  }
0x160: {  	v5 =	vnsel vm14, $0xC10, v5;
	_ =	sdelay $0x4  }
0x161: {  	[tilespmem:v5+s13+$0x0] =	vst.idx.msk vm14, v4  }
0x162: {  	v4 =	vld [tilespmem:s19+$0x81F0];
	_ =	sdelay $0x2  }
0x163: {  	(v2sf) =	vpush v62, $0xF;
	_ =	sdelay $0x1  }
0x164: {  	vm15 =	vge.f32 v4, v3  }
0x165: {  	v3 =	vsel vm15, $0x1, v2  }
0x166: {  	(xrf0) =	vadd.scan.msk.s32 $0xffff, v3;
	_ =	sdelay $0x5  }
0x167: {  	v3, _, _ =	vpop (xrf0)  }
0x168: {  	(v2sf) =	vpush v3, $0xF;
	_ =	sdelay $0x3  }
0x169: {  	s30 =	spop (v2sf)  }
0x16a: {  	s19 =	sadd.s32 s20, s30  }
0x16b: {  	v63 =	vmov s19  }
0x16c: {  	v5 =	vadd.s32 $0xFFFFFFFF, v63  }
0x16d: {  	v5 =	vbroadcast v5, $0x0;
	_ =	sdelay $0x1  }
0x16e: {  	v3 =	vadd.s32 v3, v5  }
0x16f: {  	v3 =	vnsel vm15, $0xC10, v3  }
.Ltmp6:
0x170: {  	_ = 	snop;
	(pc) =	sbr.rel .LBB2_9-.Ltmp6, $3  }
0x171: {  	_ =	sdelay $0x1  }
0x172: {  	s31 =	spop (v2sf)  }
0x173: {  	[tilespmem:v3+s13+$0x0] =	vst.idx.msk vm15, v4;
	s19 =	sadd.s32 s19, s31  }
.LBB2_6:
0x174: {  	_ =	swait.ge [sflag:s15], $0xC00  }
0x175: {  	[sflag:s15] =	ssyncset.done $0x0  }
0x176: {  	s19 =	simm.s32 $0x0;
	[sflag:s15] =	ssyncadd.s32 $0xFFFFF400  }
0x177: {  	v4 =	vld [tilespmem:s19+$0x8D80];
	_ =	sdelay $0x4  }
0x178: {  	vm0 =	vge.f32 v4, v3  }
0x179: {  	v5 =	vsel vm0, $0x1, v2  }
0x17a: {  	(xrf0) =	vadd.scan.msk.s32 $0xffff, v5;
	_ =	sdelay $0x1  }
0x17b: {  	s20 =	simm.s32 $0x0  }
0x17c: {  	v5 =	vmov s20  }
0x17d: {  	v5 =	vadd.s32 $0xFFFFFFFF, v5  }
0x17e: {  	v5 =	vbroadcast v5, $0x0  }
0x17f: {  	v6, _, _ =	vpop (xrf0)  }
0x180: {  	v5 =	vadd.s32 v6, v5;
	(v2sf) =	vpush v6, $0xF  }
0x181: {  	v5 =	vnsel vm0, $0xC10, v5;
	_ =	sdelay $0x4  }
0x182: {  	[tilespmem:v5+s13+$0x0] =	vst.idx.msk vm0, v4  }
0x183: {  	v4 =	vld [tilespmem:s19+$0x8D90];
	_ =	sdelay $0x4  }
0x184: {  	vm0 =	vge.f32 v4, v3  }
0x185: {  	v5 =	vsel vm0, $0x1, v2  }
0x186: {  	(xrf0) =	vadd.scan.msk.s32 $0xffff, v5  }
0x187: {  	s25 =	spop (v2sf)  }
0x188: {  	s20 =	sadd.s32 $0x0, s25  }
0x189: {  	v5 =	vmov s20  }
0x18a: {  	v5 =	vadd.s32 $0xFFFFFFFF, v5  }
0x18b: {  	v5 =	vbroadcast v5, $0x0  }
0x18c: {  	v6, _, _ =	vpop (xrf0)  }
0x18d: {  	v5 =	vadd.s32 v6, v5;
	(v2sf) =	vpush v6, $0xF  }
0x18e: {  	v5 =	vnsel vm0, $0xC10, v5;
	_ =	sdelay $0x4  }
0x18f: {  	[tilespmem:v5+s13+$0x0] =	vst.idx.msk vm0, v4  }
0x190: {  	v4 =	vld [tilespmem:s19+$0x8DA0];
	_ =	sdelay $0x4  }
0x191: {  	vm0 =	vge.f32 v4, v3  }
0x192: {  	v5 =	vsel vm0, $0x1, v2  }
0x193: {  	(xrf0) =	vadd.scan.msk.s32 $0xffff, v5  }
0x194: {  	s21 =	spop (v2sf)  }
0x195: {  	s20 =	sadd.s32 s20, s21  }
0x196: {  	v5 =	vmov s20  }
0x197: {  	v5 =	vadd.s32 $0xFFFFFFFF, v5  }
0x198: {  	v5 =	vbroadcast v5, $0x0  }
0x199: {  	v6, _, _ =	vpop (xrf0)  }
0x19a: {  	v5 =	vadd.s32 v6, v5;
	(v2sf) =	vpush v6, $0xF  }
0x19b: {  	v5 =	vnsel vm0, $0xC10, v5;
	_ =	sdelay $0x4  }
0x19c: {  	[tilespmem:v5+s13+$0x0] =	vst.idx.msk vm0, v4  }
0x19d: {  	v4 =	vld [tilespmem:s19+$0x8DB0];
	_ =	sdelay $0x4  }
0x19e: {  	vm0 =	vge.f32 v4, v3  }
0x19f: {  	v5 =	vsel vm0, $0x1, v2  }
0x1a0: {  	(xrf0) =	vadd.scan.msk.s32 $0xffff, v5  }
0x1a1: {  	s26 =	spop (v2sf)  }
0x1a2: {  	s20 =	sadd.s32 s20, s26  }
0x1a3: {  	v5 =	vmov s20  }
0x1a4: {  	v5 =	vadd.s32 $0xFFFFFFFF, v5  }
0x1a5: {  	v5 =	vbroadcast v5, $0x0  }
0x1a6: {  	v6, _, _ =	vpop (xrf0)  }
0x1a7: {  	v5 =	vadd.s32 v6, v5;
	(v2sf) =	vpush v6, $0xF  }
0x1a8: {  	v5 =	vnsel vm0, $0xC10, v5;
	_ =	sdelay $0x4  }
0x1a9: {  	[tilespmem:v5+s13+$0x0] =	vst.idx.msk vm0, v4  }
0x1aa: {  	v4 =	vld [tilespmem:s19+$0x8DC0];
	_ =	sdelay $0x4  }
0x1ab: {  	vm0 =	vge.f32 v4, v3  }
0x1ac: {  	v5 =	vsel vm0, $0x1, v2  }
0x1ad: {  	(xrf0) =	vadd.scan.msk.s32 $0xffff, v5  }
0x1ae: {  	s28 =	spop (v2sf)  }
0x1af: {  	s20 =	sadd.s32 s20, s28  }
0x1b0: {  	v5 =	vmov s20  }
0x1b1: {  	v5 =	vadd.s32 $0xFFFFFFFF, v5  }
0x1b2: {  	v5 =	vbroadcast v5, $0x0  }
0x1b3: {  	v6, _, _ =	vpop (xrf0)  }
0x1b4: {  	v5 =	vadd.s32 v6, v5;
	(v2sf) =	vpush v6, $0xF  }
0x1b5: {  	v5 =	vnsel vm0, $0xC10, v5;
	_ =	sdelay $0x4  }
0x1b6: {  	[tilespmem:v5+s13+$0x0] =	vst.idx.msk vm0, v4  }
0x1b7: {  	v4 =	vld [tilespmem:s19+$0x8DD0];
	_ =	sdelay $0x4  }
0x1b8: {  	vm0 =	vge.f32 v4, v3  }
0x1b9: {  	v5 =	vsel vm0, $0x1, v2  }
0x1ba: {  	(xrf0) =	vadd.scan.msk.s32 $0xffff, v5  }
0x1bb: {  	s29 =	spop (v2sf)  }
0x1bc: {  	s20 =	sadd.s32 s20, s29  }
0x1bd: {  	v5 =	vmov s20  }
0x1be: {  	v5 =	vadd.s32 $0xFFFFFFFF, v5  }
0x1bf: {  	v5 =	vbroadcast v5, $0x0  }
0x1c0: {  	v6, _, _ =	vpop (xrf0)  }
0x1c1: {  	v5 =	vadd.s32 v6, v5;
	(v2sf) =	vpush v6, $0xF  }
0x1c2: {  	v5 =	vnsel vm0, $0xC10, v5;
	_ =	sdelay $0x4  }
0x1c3: {  	[tilespmem:v5+s13+$0x0] =	vst.idx.msk vm0, v4  }
0x1c4: {  	v4 =	vld [tilespmem:s19+$0x8DE0];
	_ =	sdelay $0x4  }
0x1c5: {  	vm0 =	vge.f32 v4, v3  }
0x1c6: {  	v5 =	vsel vm0, $0x1, v2  }
0x1c7: {  	(xrf0) =	vadd.scan.msk.s32 $0xffff, v5  }
0x1c8: {  	s30 =	spop (v2sf)  }
0x1c9: {  	s20 =	sadd.s32 s20, s30  }
0x1ca: {  	v5 =	vmov s20  }
0x1cb: {  	v5 =	vadd.s32 $0xFFFFFFFF, v5  }
0x1cc: {  	v5 =	vbroadcast v5, $0x0  }
0x1cd: {  	v6, _, _ =	vpop (xrf0)  }
0x1ce: {  	v5 =	vadd.s32 v6, v5  }
0x1cf: {  	(v2sf) =	vpush v6, $0xF;
	v5 =	vnsel vm0, $0xC10, v5;
	_ =	sdelay $0x4  }
0x1d0: {  	[tilespmem:v5+s13+$0x0] =	vst.idx.msk vm0, v4  }
0x1d1: {  	v4 =	vld [tilespmem:s19+$0x8DF0];
	_ =	sdelay $0x4  }
0x1d2: {  	vm0 =	vge.f32 v4, v3  }
0x1d3: {  	v5 =	vsel vm0, $0x1, v2  }
0x1d4: {  	(xrf0) =	vadd.scan.msk.s32 $0xffff, v5;
	_ =	sdelay $0x1  }
0x1d5: {  	s31 =	spop (v2sf)  }
0x1d6: {  	s22 =	sadd.s32 s20, s31  }
0x1d7: {  	v5 =	vmov s22  }
0x1d8: {  	v5 =	vadd.s32 $0xFFFFFFFF, v5  }
0x1d9: {  	v5 =	vbroadcast v5, $0x0;
	v6, _, _ =	vpop (xrf0)  }
0x1da: {  	(v2sf) =	vpush v6, $0xF  }
0x1db: {  	v5 =	vadd.s32 v6, v5  }
0x1dc: {  	v5 =	vnsel vm0, $0xC10, v5;
	_ =	sdelay $0x4  }
0x1dd: {  	s19 =	simm.s32 $0x80;
	[tilespmem:v5+s13+$0x0] =	vst.idx.msk vm0, v4  }
0x1de: {  	v4 =	vld [tilespmem:s19+$0x8D80];
	_ =	sdelay $0x4  }
0x1df: {  	vm0 =	vge.f32 v4, v3  }
0x1e0: {  	v5 =	vsel vm0, $0x1, v2  }
0x1e1: {  	s20 =	simm.s32 $0x400;
	(xrf0) =	vadd.scan.msk.s32 $0xffff, v5;
	s21 =	spop (v2sf)  }
.LBB2_7:
0x1e2: {  	p0 =	sne.s32 s20, $0x2E00  }
0x1e3: {  	s22 =	sadd.s32 s22, s21;
	s21 =	smov.u32 s20;
	s20 =	sadd.s32 $0x200, s20  }
0x1e4: {  	v5 =	vmov s22  }
0x1e5: {  	v5 =	vadd.s32 $0xFFFFFFFF, v5  }
0x1e6: {  	v5 =	vbroadcast v5, $0x0  }
0x1e7: {  	v6, _, _ =	vpop (xrf0)  }
0x1e8: {  	v5 =	vadd.s32 v6, v5;
	(v2sf) =	vpush v6, $0xF  }
0x1e9: {  	v5 =	vnsel vm0, $0xC10, v5;
	_ =	sdelay $0x4  }
0x1ea: {  	[tilespmem:v5+s13+$0x0] =	vst.idx.msk vm0, v4  }
0x1eb: {  	v4 =	vld [tilespmem:s19+$0x8D90];
	_ =	sdelay $0x4  }
0x1ec: {  	vm0 =	vge.f32 v4, v3  }
0x1ed: {  	v5 =	vsel vm0, $0x1, v2  }
0x1ee: {  	(xrf0) =	vadd.scan.msk.s32 $0xffff, v5  }
0x1ef: {  	s23 =	spop (v2sf)  }
0x1f0: {  	s22 =	sadd.s32 s22, s23  }
0x1f1: {  	v5 =	vmov s22  }
0x1f2: {  	v5 =	vadd.s32 $0xFFFFFFFF, v5  }
0x1f3: {  	v5 =	vbroadcast v5, $0x0  }
0x1f4: {  	v6, _, _ =	vpop (xrf0)  }
0x1f5: {  	v5 =	vadd.s32 v6, v5;
	(v2sf) =	vpush v6, $0xF  }
0x1f6: {  	v5 =	vnsel vm0, $0xC10, v5;
	_ =	sdelay $0x4  }
0x1f7: {  	[tilespmem:v5+s13+$0x0] =	vst.idx.msk vm0, v4  }
0x1f8: {  	v4 =	vld [tilespmem:s19+$0x8DA0];
	_ =	sdelay $0x4  }
0x1f9: {  	vm0 =	vge.f32 v4, v3  }
0x1fa: {  	v5 =	vsel vm0, $0x1, v2  }
0x1fb: {  	(xrf0) =	vadd.scan.msk.s32 $0xffff, v5  }
0x1fc: {  	s23 =	spop (v2sf)  }
0x1fd: {  	s22 =	sadd.s32 s22, s23  }
0x1fe: {  	v5 =	vmov s22  }
0x1ff: {  	v5 =	vadd.s32 $0xFFFFFFFF, v5  }
0x200: {  	v5 =	vbroadcast v5, $0x0  }
0x201: {  	v6, _, _ =	vpop (xrf0)  }
0x202: {  	v5 =	vadd.s32 v6, v5;
	(v2sf) =	vpush v6, $0xF  }
0x203: {  	v5 =	vnsel vm0, $0xC10, v5;
	_ =	sdelay $0x4  }
0x204: {  	[tilespmem:v5+s13+$0x0] =	vst.idx.msk vm0, v4  }
0x205: {  	v4 =	vld [tilespmem:s19+$0x8DB0];
	_ =	sdelay $0x4  }
0x206: {  	vm0 =	vge.f32 v4, v3  }
0x207: {  	v5 =	vsel vm0, $0x1, v2  }
0x208: {  	(xrf0) =	vadd.scan.msk.s32 $0xffff, v5  }
0x209: {  	s23 =	spop (v2sf)  }
0x20a: {  	s22 =	sadd.s32 s22, s23  }
0x20b: {  	v5 =	vmov s22  }
0x20c: {  	v5 =	vadd.s32 $0xFFFFFFFF, v5  }
0x20d: {  	v5 =	vbroadcast v5, $0x0  }
0x20e: {  	v6, _, _ =	vpop (xrf0)  }
0x20f: {  	v5 =	vadd.s32 v6, v5;
	(v2sf) =	vpush v6, $0xF  }
0x210: {  	v5 =	vnsel vm0, $0xC10, v5;
	_ =	sdelay $0x4  }
0x211: {  	[tilespmem:v5+s13+$0x0] =	vst.idx.msk vm0, v4  }
0x212: {  	v4 =	vld [tilespmem:s19+$0x8DC0];
	_ =	sdelay $0x4  }
0x213: {  	vm0 =	vge.f32 v4, v3  }
0x214: {  	v5 =	vsel vm0, $0x1, v2  }
0x215: {  	(xrf0) =	vadd.scan.msk.s32 $0xffff, v5  }
0x216: {  	s23 =	spop (v2sf)  }
0x217: {  	s22 =	sadd.s32 s22, s23  }
0x218: {  	v5 =	vmov s22  }
0x219: {  	v5 =	vadd.s32 $0xFFFFFFFF, v5  }
0x21a: {  	v5 =	vbroadcast v5, $0x0  }
0x21b: {  	v6, _, _ =	vpop (xrf0)  }
0x21c: {  	v5 =	vadd.s32 v6, v5;
	(v2sf) =	vpush v6, $0xF  }
0x21d: {  	v5 =	vnsel vm0, $0xC10, v5;
	_ =	sdelay $0x4  }
0x21e: {  	[tilespmem:v5+s13+$0x0] =	vst.idx.msk vm0, v4  }
0x21f: {  	v4 =	vld [tilespmem:s19+$0x8DD0];
	_ =	sdelay $0x4  }
0x220: {  	vm0 =	vge.f32 v4, v3  }
0x221: {  	v5 =	vsel vm0, $0x1, v2  }
0x222: {  	(xrf0) =	vadd.scan.msk.s32 $0xffff, v5  }
0x223: {  	s23 =	spop (v2sf)  }
0x224: {  	s22 =	sadd.s32 s22, s23  }
0x225: {  	v5 =	vmov s22  }
0x226: {  	v5 =	vadd.s32 $0xFFFFFFFF, v5  }
0x227: {  	v5 =	vbroadcast v5, $0x0  }
0x228: {  	v6, _, _ =	vpop (xrf0)  }
0x229: {  	v5 =	vadd.s32 v6, v5;
	(v2sf) =	vpush v6, $0xF  }
0x22a: {  	v5 =	vnsel vm0, $0xC10, v5;
	_ =	sdelay $0x4  }
0x22b: {  	[tilespmem:v5+s13+$0x0] =	vst.idx.msk vm0, v4  }
0x22c: {  	v4 =	vld [tilespmem:s19+$0x8DE0];
	_ =	sdelay $0x4  }
0x22d: {  	vm0 =	vge.f32 v4, v3  }
0x22e: {  	v5 =	vsel vm0, $0x1, v2  }
0x22f: {  	(xrf0) =	vadd.scan.msk.s32 $0xffff, v5  }
0x230: {  	s23 =	spop (v2sf)  }
0x231: {  	s22 =	sadd.s32 s22, s23  }
0x232: {  	v5 =	vmov s22  }
0x233: {  	v5 =	vadd.s32 $0xFFFFFFFF, v5  }
0x234: {  	v5 =	vbroadcast v5, $0x0  }
0x235: {  	v6, _, _ =	vpop (xrf0)  }
0x236: {  	v5 =	vadd.s32 v6, v5;
	(v2sf) =	vpush v6, $0xF  }
0x237: {  	v5 =	vnsel vm0, $0xC10, v5;
	_ =	sdelay $0x4  }
0x238: {  	[tilespmem:v5+s13+$0x0] =	vst.idx.msk vm0, v4  }
0x239: {  	v4 =	vld [tilespmem:s19+$0x8DF0];
	_ =	sdelay $0x4  }
0x23a: {  	vm0 =	vge.f32 v4, v3  }
0x23b: {  	v5 =	vsel vm0, $0x1, v2  }
0x23c: {  	(xrf0) =	vadd.scan.msk.s32 $0xffff, v5  }
0x23d: {  	s19 =	spop (v2sf)  }
0x23e: {  	s22 =	sadd.s32 s22, s19  }
0x23f: {  	v5 =	vmov s22  }
0x240: {  	v5 =	vadd.s32 $0xFFFFFFFF, v5  }
0x241: {  	v5 =	vbroadcast v5, $0x0  }
0x242: {  	v6, _, _ =	vpop (xrf0)  }
0x243: {  	v5 =	vadd.s32 v6, v5;
	(v2sf) =	vpush v6, $0xF  }
0x244: {  	v5 =	vnsel vm0, $0xC10, v5;
	_ =	sdelay $0x4  }
0x245: {  	s19 =	sshra.s32 s21, $0x2;
	[tilespmem:v5+s13+$0x0] =	vst.idx.msk vm0, v4  }
0x246: {  	v4 =	vld [tilespmem:s19+$0x8D80];
	_ =	sdelay $0x3  }
.Ltmp7:
0x247: {  	(pc) =	sbr.rel @p0 .LBB2_7-.Ltmp7, $4  }
0x248: {  	vm0 =	vge.f32 v4, v3  }
0x249: {  	v5 =	vsel vm0, $0x1, v2  }
0x24a: {  	(xrf0) =	vadd.scan.msk.s32 $0xffff, v5  }
0x24b: {  	s21 =	spop (v2sf)  }
0x24c: {  	s20 =	sadd.s32 s22, s21  }
0x24d: {  	v5 =	vmov s20  }
0x24e: {  	v5 =	vadd.s32 $0xFFFFFFFF, v5  }
0x24f: {  	v5 =	vbroadcast v5, $0x0  }
0x250: {  	v6, _, _ =	vpop (xrf0)  }
0x251: {  	v5 =	vadd.s32 v6, v5;
	(v2sf) =	vpush v6, $0xF  }
0x252: {  	v5 =	vnsel vm0, $0xC10, v5;
	_ =	sdelay $0x4  }
0x253: {  	[tilespmem:v5+s13+$0x0] =	vst.idx.msk vm0, v4  }
0x254: {  	v4 =	vld [tilespmem:s19+$0x8D90];
	_ =	sdelay $0x4  }
0x255: {  	vm9 =	vge.f32 v4, v3  }
0x256: {  	v45 =	vsel vm9, $0x1, v2  }
0x257: {  	(xrf0) =	vadd.scan.msk.s32 $0xffff, v45  }
0x258: {  	s23 =	spop (v2sf)  }
0x259: {  	s20 =	sadd.s32 s20, s23  }
0x25a: {  	v46 =	vmov s20  }
0x25b: {  	v5 =	vadd.s32 $0xFFFFFFFF, v46  }
0x25c: {  	v5 =	vbroadcast v5, $0x0  }
0x25d: {  	v47, _, _ =	vpop (xrf0)  }
0x25e: {  	v5 =	vadd.s32 v47, v5;
	(v2sf) =	vpush v47, $0xF  }
0x25f: {  	v5 =	vnsel vm9, $0xC10, v5;
	_ =	sdelay $0x4  }
0x260: {  	[tilespmem:v5+s13+$0x0] =	vst.idx.msk vm9, v4  }
0x261: {  	v4 =	vld [tilespmem:s19+$0x8DA0];
	_ =	sdelay $0x4  }
0x262: {  	vm10 =	vge.f32 v4, v3  }
0x263: {  	v48 =	vsel vm10, $0x1, v2  }
0x264: {  	(xrf0) =	vadd.scan.msk.s32 $0xffff, v48  }
0x265: {  	s24 =	spop (v2sf)  }
0x266: {  	s20 =	sadd.s32 s20, s24  }
0x267: {  	v49 =	vmov s20  }
0x268: {  	v5 =	vadd.s32 $0xFFFFFFFF, v49  }
0x269: {  	v5 =	vbroadcast v5, $0x0  }
0x26a: {  	v50, _, _ =	vpop (xrf0)  }
0x26b: {  	v5 =	vadd.s32 v50, v5;
	(v2sf) =	vpush v50, $0xF  }
0x26c: {  	v5 =	vnsel vm10, $0xC10, v5;
	_ =	sdelay $0x4  }
0x26d: {  	[tilespmem:v5+s13+$0x0] =	vst.idx.msk vm10, v4  }
0x26e: {  	v4 =	vld [tilespmem:s19+$0x8DB0];
	_ =	sdelay $0x4  }
0x26f: {  	vm11 =	vge.f32 v4, v3  }
0x270: {  	v51 =	vsel vm11, $0x1, v2  }
0x271: {  	(xrf0) =	vadd.scan.msk.s32 $0xffff, v51  }
0x272: {  	s25 =	spop (v2sf)  }
0x273: {  	s20 =	sadd.s32 s20, s25  }
0x274: {  	v52 =	vmov s20  }
0x275: {  	v5 =	vadd.s32 $0xFFFFFFFF, v52  }
0x276: {  	v5 =	vbroadcast v5, $0x0  }
0x277: {  	v53, _, _ =	vpop (xrf0)  }
0x278: {  	v5 =	vadd.s32 v53, v5;
	(v2sf) =	vpush v53, $0xF  }
0x279: {  	v5 =	vnsel vm11, $0xC10, v5;
	_ =	sdelay $0x4  }
0x27a: {  	[tilespmem:v5+s13+$0x0] =	vst.idx.msk vm11, v4  }
0x27b: {  	v4 =	vld [tilespmem:s19+$0x8DC0];
	_ =	sdelay $0x4  }
0x27c: {  	vm12 =	vge.f32 v4, v3  }
0x27d: {  	v54 =	vsel vm12, $0x1, v2  }
0x27e: {  	(xrf0) =	vadd.scan.msk.s32 $0xffff, v54  }
0x27f: {  	s26 =	spop (v2sf)  }
0x280: {  	s20 =	sadd.s32 s20, s26  }
0x281: {  	v55 =	vmov s20  }
0x282: {  	v5 =	vadd.s32 $0xFFFFFFFF, v55  }
0x283: {  	v5 =	vbroadcast v5, $0x0  }
0x284: {  	v56, _, _ =	vpop (xrf0)  }
0x285: {  	v5 =	vadd.s32 v56, v5;
	(v2sf) =	vpush v56, $0xF  }
0x286: {  	v5 =	vnsel vm12, $0xC10, v5;
	_ =	sdelay $0x4  }
0x287: {  	[tilespmem:v5+s13+$0x0] =	vst.idx.msk vm12, v4  }
0x288: {  	v4 =	vld [tilespmem:s19+$0x8DD0];
	_ =	sdelay $0x4  }
0x289: {  	vm13 =	vge.f32 v4, v3  }
0x28a: {  	v57 =	vsel vm13, $0x1, v2  }
0x28b: {  	(xrf0) =	vadd.scan.msk.s32 $0xffff, v57  }
0x28c: {  	s28 =	spop (v2sf)  }
0x28d: {  	s20 =	sadd.s32 s20, s28  }
0x28e: {  	v58 =	vmov s20  }
0x28f: {  	v5 =	vadd.s32 $0xFFFFFFFF, v58  }
0x290: {  	v5 =	vbroadcast v5, $0x0  }
0x291: {  	v59, _, _ =	vpop (xrf0)  }
0x292: {  	v5 =	vadd.s32 v59, v5;
	(v2sf) =	vpush v59, $0xF  }
0x293: {  	v5 =	vnsel vm13, $0xC10, v5;
	_ =	sdelay $0x4  }
0x294: {  	[tilespmem:v5+s13+$0x0] =	vst.idx.msk vm13, v4  }
0x295: {  	v4 =	vld [tilespmem:s19+$0x8DE0];
	_ =	sdelay $0x4  }
0x296: {  	vm14 =	vge.f32 v4, v3  }
0x297: {  	v60 =	vsel vm14, $0x1, v2  }
0x298: {  	(xrf0) =	vadd.scan.msk.s32 $0xffff, v60  }
0x299: {  	s29 =	spop (v2sf)  }
0x29a: {  	s20 =	sadd.s32 s20, s29  }
0x29b: {  	v61 =	vmov s20  }
0x29c: {  	v5 =	vadd.s32 $0xFFFFFFFF, v61  }
0x29d: {  	v5 =	vbroadcast v5, $0x0  }
0x29e: {  	v62, _, _ =	vpop (xrf0)  }
0x29f: {  	v5 =	vadd.s32 v62, v5  }
0x2a0: {  	v5 =	vnsel vm14, $0xC10, v5;
	_ =	sdelay $0x4  }
0x2a1: {  	[tilespmem:v5+s13+$0x0] =	vst.idx.msk vm14, v4  }
0x2a2: {  	v4 =	vld [tilespmem:s19+$0x8DF0];
	_ =	sdelay $0x2  }
0x2a3: {  	(v2sf) =	vpush v62, $0xF;
	_ =	sdelay $0x1  }
0x2a4: {  	vm15 =	vge.f32 v4, v3  }
0x2a5: {  	v3 =	vsel vm15, $0x1, v2  }
0x2a6: {  	(xrf0) =	vadd.scan.msk.s32 $0xffff, v3;
	_ =	sdelay $0x5  }
0x2a7: {  	v3, _, _ =	vpop (xrf0)  }
0x2a8: {  	(v2sf) =	vpush v3, $0xF;
	_ =	sdelay $0x3  }
0x2a9: {  	s30 =	spop (v2sf)  }
0x2aa: {  	s19 =	sadd.s32 s20, s30  }
0x2ab: {  	v63 =	vmov s19  }
0x2ac: {  	v5 =	vadd.s32 $0xFFFFFFFF, v63  }
0x2ad: {  	v5 =	vbroadcast v5, $0x0;
	_ =	sdelay $0x1  }
0x2ae: {  	v3 =	vadd.s32 v3, v5  }
0x2af: {  	v3 =	vnsel vm15, $0xC10, v3;
	_ =	sdelay $0x3  }
0x2b0: {  	s31 =	spop (v2sf)  }
0x2b1: {  	[tilespmem:v3+s13+$0x0] =	vst.idx.msk vm15, v4;
	s19 =	sadd.s32 s19, s31  }
.LBB2_9:
0x2b2: {  	p0 =	sgt.s32 s19, $0x30  }
.Ltmp8:
0x2b3: {  	_ = 	snop;
	(pc) =	sbr.rel @p0 .LBB2_10-.Ltmp8, $3  }
0x2b4: {  	_ =	sdelay $0x1  }
0x2b5: {  	[tilespmem:s19+$0x9980] =	vst v0  }
0x2b6: {  	[tilespmem:s19+$0x9990] =	vst v0  }
0x2b7: {  	v4 =	vld [tilespmem:$0x9980]  }
0x2b8: {  	v5 =	vld [tilespmem:$0x9990]  }
0x2b9: {  	v3 =	vld [tilespmem:$0x99A0];
	_ =	sdelay $0x3  }
0x2ba: {  	s19 =	simm.s32 $0x13;
	v6 =	vmax.f32 v4, v5  }
.LBB2_20:
0x2bb: {  	p0 =	seq.s32 s19, $0x1;
	v6 =	vmax.f32 v6, v3  }
0x2bc: {  	(xrf0) =	vmax.scan.msk.f32 $0xffff, v6;
	_ =	sdelay $0x5  }
0x2bd: {  	v6, _, _ =	vpop (xrf0)  }
.Ltmp9:
0x2be: {  	v6 =	vbroadcast v6, $0xF;
	(pc) =	sbr.rel @!p0 .LBB2_20-.Ltmp9, $4  }
0x2bf: {  	_ = 	snop  }
0x2c0: {  	vm0 =	vge.f32 v4, v6;
	vm1 =	vge.f32 v5, v6;
	vm2 =	vge.f32 v3, v6  }
0x2c1: {  	v4 =	vsel vm0, $0xFF800000, v4;
	v5 =	vsel vm1, $0xFF800000, v5;
	v3 =	vsel vm2, $0xFF800000, v3  }
0x2c2: {  	s19 =	sadd.s32 $0xFFFFFFFF, s19;
	v6 =	vmax.f32 v4, v5  }
0x2c3: {  	v6 =	vmax.f32 v6, v3  }
0x2c4: {  	(xrf0) =	vmax.scan.msk.f32 $0xffff, v6;
	_ =	sdelay $0x5  }
0x2c5: {  	v6, _, _ =	vpop (xrf0)  }
0x2c6: {  	(v2sf) =	vpush v6, $0xF;
	_ =	sdelay $0x8  }
0x2c7: {  	v7 =	vbroadcast v6, $0xF;
	_ =	sdelay $0x1  }
.Ltmp10:
0x2c8: {  	vm0 =	vge.f32 v4, v7;
	(pc) =	sbr.rel .LBB2_22-.Ltmp10, $4  }
0x2c9: {  	vm1 =	vge.f32 v5, v7;
	v4 =	vsel vm0, $0xFF800000, v4  }
0x2ca: {  	vm2 =	vge.f32 v3, v7;
	v5 =	vsel vm1, $0xFF800000, v5;
	[tilespmem:$0x9980] =	vst v4  }
0x2cb: {  	v3 =	vsel vm2, $0xFF800000, v3;
	[tilespmem:$0x9990] =	vst v5  }
0x2cc: {  	[tilespmem:$0x99A0] =	vst v3;
	s19 =	spop (v2sf)  }
.LBB2_10:
0x2cd: {  	s19 =	sadd.s32 $0xF, s19  }
0x2ce: {  	s20 =	sand.u32 $0xF, s19;
	s21 =	sshra.s32 s19, $0x1F  }
.Ltmp11:
0x2cf: {  	p0 =	slt.s32 s19, $0x1;
	p1 =	sne.s32 s20, $0x0;
	(pc) =	sbr.rel .LBB2_11-.Ltmp11, $4  }
0x2d0: {  	s31 =	sshrl.u32 s21, $0x1C;
	p0 =	por !p0, !p1  }
0x2d1: {  	s20 =	simm.s32 $0x1;
	s19 =	sadd.s32 s31, s19;
	p0 =	por !p0, !p0  }
0x2d2: {  	s19 =	sshra.s32 s19, $0x4;
	s20 =	simm.s32 @!p0 $0x0  }
0x2d3: {  	s19 =	ssub.s32 s19, s20;
	s20 =	simm.s32 $0x0  }
.LBB2_16:
0x2d4: {  	vm0 =	vge.f32 v5, v4  }
0x2d5: {  	v4 =	vsel vm0, $0xFF800000, v5  }
0x2d6: {  	[tilespmem:s21+$0x0] =	vst v4  }
.LBB2_17:
0x2d7: {  	s20 =	sadd.s32 $0x1, s20  }
0x2d8: {  	p0 =	seq.s32 s20, $0x14  }
.Ltmp12:
0x2d9: {  	_ = 	snop;
	(pc) =	sbr.rel @p0 .LBB2_18-.Ltmp12, $1  }
0x2da: {  	_ =	sdelay $0x3  }
.LBB2_11:
0x2db: {  	p0 =	slt.s32 s19, $0x1  }
.Ltmp13:
0x2dc: {  	_ = 	snop;
	(pc) =	sbr.rel @p0 .LBB2_17-.Ltmp13, $2  }
0x2dd: {  	_ =	sdelay $0x2  }
0x2de: {  	v3 =	vmov v1  }
0x2df: {  	p0 =	sne.s32 s19, $0x1  }
.Ltmp14:
0x2e0: {  	_ = 	snop;
	(pc) =	sbr.rel @!p0 .LBB2_14-.Ltmp14, $3  }
0x2e1: {  	_ =	sdelay $0x1  }
0x2e2: {  	s21 =	simm.s32 $0x9980  }
0x2e3: {  	v3 =	vimm.f32 $-Inf;
	s22 =	sadd.s32 $0xFFFFFFFF, s19;
	s23 =	simm.s32 $0x9980;
	v4 =	vld [tilespmem:s21+$0x0]  }
.LBB2_13:
0x2e4: {  	p1 =	sne.s32 s22, $0x1  }
.Ltmp15:
0x2e5: {  	_ = 	snop;
	(pc) =	sbr.rel @p1 .LBB2_13-.Ltmp15, $3  }
0x2e6: {  	_ =	sdelay $0x1  }
0x2e7: {  	s22 =	sadd.s32 $0xFFFFFFFF, s22;
	s23 =	sadd.s32 $0x10, s23;
	v3 =	vmax.f32 v3, v4  }
0x2e8: {  	v4 =	vld [tilespmem:s23+$0x0]  }
.LBB2_14:
0x2e9: {  	_ =	sdelay $0x3  }
0x2ea: {  	v3 =	vmax.f32 v3, v4  }
0x2eb: {  	(xrf0) =	vmax.scan.msk.f32 $0xffff, v3;
	_ =	sdelay $0x3  }
.Ltmp16:
0x2ec: {  	v5 =	vld [tilespmem:s21+$0x0];
	(pc) =	sbr.rel @!p0 .LBB2_16-.Ltmp16, $4  }
0x2ed: {  	_ = 	snop  }
0x2ee: {  	v3, _, _ =	vpop (xrf0)  }
0x2ef: {  	v4 =	vbroadcast v3, $0xF  }
0x2f0: {  	s22 =	sadd.s32 $0xFFFFFFFF, s19  }
.LBB2_15:
0x2f1: {  	p0 =	sne.s32 s22, $0x1;
	_ =	sdelay $0x2  }
.Ltmp17:
0x2f2: {  	(pc) =	sbr.rel @p0 .LBB2_15-.Ltmp17, $4  }
0x2f3: {  	vm0 =	vge.f32 v5, v4  }
0x2f4: {  	v5 =	vsel vm0, $0xFF800000, v5  }
0x2f5: {  	[tilespmem:s21+$0x0] =	vst v5;
	s21 =	sadd.s32 $0x10, s21  }
0x2f6: {  	s22 =	sadd.s32 $0xFFFFFFFF, s22;
	v5 =	vld [tilespmem:s21+$0x0]  }
.Ltmp18:
0x2f7: {  	_ = 	snop;
	(pc) =	sbr.rel .LBB2_16-.Ltmp18, $1  }
0x2f8: {  	_ =	sdelay $0x3  }
.LBB2_24:
0x2f9: {  	_ =	sfence.sel $0x180000  }
0x2fa: {  	[bflag:$0x0] =	sbarrier.arrive $0xFFFF  }
0x2fb: {  	p0 =	sne.s32 s1, $0x0;
	_ =	strace $0x90000047  }
0x2fc: {  	s0 =	sadd.s32 @!p0 $0x100000, s0;
	[bflag:$0x2] =	sbarrier.arrive $0xFFFF  }
0x2fd: {  	[sflag:s0] =	ssyncadd.tile.s32 @!p0 $0x1;
	_ =	shalt  }
.Lfunc_end2:
_tile_overlayer_lowered:
.L_overlay_start_2:
0x2fe: {  	(tag) =	ssettag $0x2  }
0x2ff: {  	s0 =	rddreg [dreg:$0x0];
	s2 =	stileid.u32  }
0x300: {  	s1 =	rddreg [dreg:$0x1];
	p0 =	sne.s32 s2, $0x0  }
0x301: {  	s3 =	rddreg [dreg:$0x2];
	[bflag:$0x3] =	sbarrier.arrive $0xFFFF;
	s2 =	simm.s32 @!p0 $0x1C03  }
0x302: {  	[timem:s3], [sflag:s2] =	dma.local @!p0 [hbm:s0], s1  }
0x303: {  	s0 =	simm.s32 @!p0 $0x3  }
0x304: {  	_ =	swait.ge @!p0 [sflag:s0], s1  }
0x305: {  	s1 =	ssub.s32 @!p0 $0x0, s1;
	[sflag:s0] =	ssyncset.done @!p0 $0x0  }
0x306: {  	[sflag:s0] =	ssyncadd.s32 @!p0 s1  }
0x307: {  	[bflag:$0x3] =	sbarrier.arrive $0xFFFF  }
0x308: {  	_ =	shalt  }

</sc_bundles>
